<compile_context>
chip_gen: v7x
topology: tpu7x:2x2x1
jax: 0.10.2.dev20260603
libtpu: 0.0.44.dev20260713+nightly
codegen_flags: <defaults>
</compile_context>

<pallas_src>
import functools

import jax
import jax.numpy as jnp
from jax import lax
from jax.experimental import pallas as pl
from jax.experimental.pallas import tpu as pltpu
from jax.experimental.pallas import tpu_sc as plsc

_SEQ_BLK = 1024


def _add_kernel(x_ref, t_ref, o_ref):
    o_ref[...] = x_ref[...] + t_ref[...]


def _tc_impl(inputs, pos_table):
    B, S, D = inputs.shape
    ns = S // _SEQ_BLK
    return pl.pallas_call(
        _add_kernel,
        grid=(ns, B),
        in_specs=[
            pl.BlockSpec((1, _SEQ_BLK, D), lambda s, b: (b, s, 0)),
            pl.BlockSpec((_SEQ_BLK, D), lambda s, b: (s, 0)),
        ],
        out_specs=pl.BlockSpec((1, _SEQ_BLK, D), lambda s, b: (b, s, 0)),
        out_shape=jax.ShapeDtypeStruct(inputs.shape, inputs.dtype),
        compiler_params=pltpu.CompilerParams(
            dimension_semantics=("parallel", "arbitrary"),
        ),
    )(inputs, pos_table)


_NW = 32
_C = 8
_XRING = 5


def _sc_impl(x1d, t1d, S, D):
    R = x1d.shape[0] // D
    NB = R // S
    span = S // _NW
    T = span // _C
    J = T * NB
    CW = _C * D

    mesh = plsc.VectorSubcoreMesh(core_axis_name="c", subcore_axis_name="s")

    @functools.partial(
        pl.kernel,
        mesh=mesh,
        out_type=jax.ShapeDtypeStruct((R * D,), jnp.float32),
        scratch_types=[
            pltpu.VMEM((2 * CW,), jnp.float32),
            pltpu.VMEM((_XRING * CW,), jnp.float32),
            pltpu.SemaphoreType.DMA,
            pltpu.SemaphoreType.DMA,
            pltpu.SemaphoreType.DMA,
        ],
    )
    def sc_k(x_hbm, t_hbm, o_hbm, tbuf, xbuf, tsem, xsem, osem):
        wid = lax.axis_index("c") * 16 + lax.axis_index("s")
        p0 = wid * span

        def t_copy(tau):
            slot = lax.rem(tau, 2) * CW
            return pltpu.make_async_copy(
                t_hbm.at[pl.ds((p0 + tau * _C) * D, CW)],
                tbuf.at[pl.ds(slot, CW)],
                tsem,
            )

        def x_off(j):
            tau = lax.div(j, NB)
            b = lax.rem(j, NB)
            return (b * S + p0 + tau * _C) * D

        def x_slot(j):
            return lax.rem(j, _XRING) * CW

        def x_copy(j):
            return pltpu.make_async_copy(
                x_hbm.at[pl.ds(x_off(j), CW)],
                xbuf.at[pl.ds(x_slot(j), CW)],
                xsem,
            )

        def o_copy(j):
            return pltpu.make_async_copy(
                xbuf.at[pl.ds(x_slot(j), CW)],
                o_hbm.at[pl.ds(x_off(j), CW)],
                osem,
            )

        t_copy(0).start()
        t_copy(1).start()
        x_copy(0).start()
        x_copy(1).start()

        def body(j, carry):
            tau = lax.div(j, NB)
            b = lax.rem(j, NB)

            @pl.when(b == 0)
            def _twait():
                t_copy(tau).wait()

            x_copy(j).wait()
            tbase = lax.rem(tau, 2) * CW
            xbase = x_slot(j)

            @plsc.parallel_loop(0, CW // 16, unroll=8)
            def add_body(i, _xbase=xbase, _tbase=tbase):
                off = i * 16
                tv = tbuf[pl.ds(_tbase + off, 16)]
                plsc.addupdate(xbuf.at[pl.ds(_xbase + off, 16)], tv)

            o_copy(j).start()

            @pl.when((b == NB - 1) & (tau + 2 < T))
            def _tprefetch():
                t_copy(tau + 2).start()

            @pl.when(j + 2 < J)
            def _xprefetch():
                @pl.when(j >= _XRING - 2)
                def _drain():
                    o_copy(j - (_XRING - 2)).wait()

                x_copy(j + 2).start()

            return carry

        lax.fori_loop(0, J, body, 0)
        for j in range(J - _XRING, J):
            o_copy(j).wait()

    return sc_k(x1d, t1d)


def kernel(inputs, pos_table):
    B, S, D = inputs.shape
    out = _sc_impl(inputs.reshape(-1), pos_table.reshape(-1), S, D)
    return out.reshape(B, S, D)

# --- scband reference (transcript-rebuilt; emitter-appended) ---
"""Pipeline reference for scband-positional-embedding-24747601560343 (READ-ONLY COPY).

The authoritative reference and input builder live on the scoring server;
editing this copy changes nothing except your own understanding.
"""

import jax, jax.numpy as jnp
import numpy as np

SEQ_LEN = 4096
OUT_DIM = 2048
BATCH = 4

def setup_inputs(seed: int = 0) -> dict:
    key = jax.random.key(seed)
    k1, k2 = jax.random.split(key)
    inputs = jax.random.normal(k1, (BATCH, SEQ_LEN, OUT_DIM), dtype=jnp.float32)
    # Embedding table parameter: [sequence_length, output_dim], keras default uniform init
    pos_table = jax.random.uniform(k2, (SEQ_LEN, OUT_DIM), dtype=jnp.float32, minval=-0.05, maxval=0.05)
    return {"inputs": inputs, "pos_table": pos_table}

def reference(inputs, pos_table):
    length = inputs.shape[1]
    positions = jnp.arange(0, length)
    embedded_positions = jnp.take(pos_table, positions, axis=0)
    return inputs + embedded_positions[None, :, :]

if __name__ == "__main__":
    import jax
    _d = setup_inputs()
    print(jax.jit(kernel)(*tuple(_d.values())))

</pallas_src>

<mosaic_0001>
#map = affine_map<(d0, d1) -> (0)>
module attributes {stable_mosaic.version = 14 : i64} {
  func.func @sc_k(%arg0: i32, %arg1: i32, %arg2: memref<33554432xf32, #tpu.memory_space<hbm>>, %arg3: memref<8388608xf32, #tpu.memory_space<hbm>>, %arg4: memref<33554432xf32, #tpu.memory_space<hbm>>, %arg5: memref<32768xf32, #tpu.memory_space<vmem>>, %arg6: memref<81920xf32, #tpu.memory_space<vmem>>, %arg7: memref<!tpu.dma_semaphore, #tpu.memory_space<semaphore_mem>>, %arg8: memref<!tpu.dma_semaphore, #tpu.memory_space<semaphore_mem>>, %arg9: memref<!tpu.dma_semaphore, #tpu.memory_space<semaphore_mem>>) attributes {dimension_semantics = [#tpu.dimension_semantics<core_parallel>, #tpu.dimension_semantics<subcore_parallel>], iteration_bounds = array<i64: 2, 16>, scalar_prefetch = 0 : i64, scratch_operands = 5 : i64, tpu.core_type = #tpu.core_type<sc_vector_subcore>, window_params = [{transform_indices = #map}, {transform_indices = #map}, {transform_indices = #map}]} {
    %mul3A = arith.constant 16 : i32
    %mul3A_0 = arith.muli %arg0, %mul3A : i32
    %add3A = arith.addi %mul3A_0, %arg1 : i32
    %mul3A_1 = arith.constant 128 : i32
    %mul3A_2 = arith.muli %add3A, %mul3A_1 : i32
    %rem3A = arith.constant 0 : i32
    %rem3A_3 = arith.constant 2 : i32
    %rem3A_4 = arith.remsi %rem3A, %rem3A_3 : i32
    %mul3A_5 = arith.constant 16384 : i32
    %mul3A_6 = arith.muli %rem3A_4, %mul3A_5 : i32
    %add3A_7 = arith.constant 0 : i32
    %add3A_8 = arith.addi %mul3A_2, %add3A_7 : i32
    %mul3A_9 = arith.constant 2048 : i32
    %mul3A_10 = arith.muli %add3A_8, %mul3A_9 : i32
    %dma_start3A = tpu.memref_slice %arg5[%mul3A_6] : memref<32768xf32, #tpu.memory_space<vmem>> -> memref<16384xf32, #tpu.memory_space<vmem>>
    %dma_start3A_11 = tpu.memref_slice %arg3[%mul3A_10] : memref<8388608xf32, #tpu.memory_space<hbm>> -> memref<16384xf32, #tpu.memory_space<hbm>>
    %dma_start3A_12 = tpu.memref_slice %arg5[%mul3A_6] : memref<32768xf32, #tpu.memory_space<vmem>> -> memref<16384xf32, #tpu.memory_space<vmem>>
    %dma_start3A_13 = tpu.memref_slice %arg3[%mul3A_10] : memref<8388608xf32, #tpu.memory_space<hbm>> -> memref<16384xf32, #tpu.memory_space<hbm>>
    tpu.enqueue_dma source(%dma_start3A_13 : memref<16384xf32, #tpu.memory_space<hbm>>) target(%dma_start3A_12 : memref<16384xf32, #tpu.memory_space<vmem>>) target_semaphore(%arg7 : memref<!tpu.dma_semaphore, #tpu.memory_space<semaphore_mem>>)
    %rem3A_14 = arith.constant 1 : i32
    %rem3A_15 = arith.constant 2 : i32
    %rem3A_16 = arith.remsi %rem3A_14, %rem3A_15 : i32
    %mul3A_17 = arith.constant 16384 : i32
    %mul3A_18 = arith.muli %rem3A_16, %mul3A_17 : i32
    %add3A_19 = arith.constant 8 : i32
    %add3A_20 = arith.addi %mul3A_2, %add3A_19 : i32
    %mul3A_21 = arith.constant 2048 : i32
    %mul3A_22 = arith.muli %add3A_20, %mul3A_21 : i32
    %dma_start3A_23 = tpu.memref_slice %arg5[%mul3A_18] : memref<32768xf32, #tpu.memory_space<vmem>> -> memref<16384xf32, #tpu.memory_space<vmem>>
    %dma_start3A_24 = tpu.memref_slice %arg3[%mul3A_22] : memref<8388608xf32, #tpu.memory_space<hbm>> -> memref<16384xf32, #tpu.memory_space<hbm>>
    %dma_start3A_25 = tpu.memref_slice %arg5[%mul3A_18] : memref<32768xf32, #tpu.memory_space<vmem>> -> memref<16384xf32, #tpu.memory_space<vmem>>
    %dma_start3A_26 = tpu.memref_slice %arg3[%mul3A_22] : memref<8388608xf32, #tpu.memory_space<hbm>> -> memref<16384xf32, #tpu.memory_space<hbm>>
    tpu.enqueue_dma source(%dma_start3A_26 : memref<16384xf32, #tpu.memory_space<hbm>>) target(%dma_start3A_25 : memref<16384xf32, #tpu.memory_space<vmem>>) target_semaphore(%arg7 : memref<!tpu.dma_semaphore, #tpu.memory_space<semaphore_mem>>)
    %div3A = arith.constant 0 : i32
    %div3A_27 = arith.constant 4 : i32
    %div3A_28 = arith.divsi %div3A, %div3A_27 : i32
    %rem3A_29 = arith.constant 0 : i32
    %rem3A_30 = arith.constant 4 : i32
    %rem3A_31 = arith.remsi %rem3A_29, %rem3A_30 : i32
    %mul3A_32 = arith.constant 4096 : i32
    %mul3A_33 = arith.muli %rem3A_31, %mul3A_32 : i32
    %add3A_34 = arith.addi %mul3A_33, %mul3A_2 : i32
    %mul3A_35 = arith.constant 8 : i32
    %mul3A_36 = arith.muli %div3A_28, %mul3A_35 : i32
    %add3A_37 = arith.addi %add3A_34, %mul3A_36 : i32
    %mul3A_38 = arith.constant 2048 : i32
    %mul3A_39 = arith.muli %add3A_37, %mul3A_38 : i32
    %rem3A_40 = arith.constant 0 : i32
    %rem3A_41 = arith.constant 5 : i32
    %rem3A_42 = arith.remsi %rem3A_40, %rem3A_41 : i32
    %mul3A_43 = arith.constant 16384 : i32
    %mul3A_44 = arith.muli %rem3A_42, %mul3A_43 : i32
    %dma_start3A_45 = tpu.memref_slice %arg6[%mul3A_44] : memref<81920xf32, #tpu.memory_space<vmem>> -> memref<16384xf32, #tpu.memory_space<vmem>>
    %dma_start3A_46 = tpu.memref_slice %arg2[%mul3A_39] : memref<33554432xf32, #tpu.memory_space<hbm>> -> memref<16384xf32, #tpu.memory_space<hbm>>
    %dma_start3A_47 = tpu.memref_slice %arg6[%mul3A_44] : memref<81920xf32, #tpu.memory_space<vmem>> -> memref<16384xf32, #tpu.memory_space<vmem>>
    %dma_start3A_48 = tpu.memref_slice %arg2[%mul3A_39] : memref<33554432xf32, #tpu.memory_space<hbm>> -> memref<16384xf32, #tpu.memory_space<hbm>>
    tpu.enqueue_dma source(%dma_start3A_48 : memref<16384xf32, #tpu.memory_space<hbm>>) target(%dma_start3A_47 : memref<16384xf32, #tpu.memory_space<vmem>>) target_semaphore(%arg8 : memref<!tpu.dma_semaphore, #tpu.memory_space<semaphore_mem>>)
    %div3A_49 = arith.constant 1 : i32
    %div3A_50 = arith.constant 4 : i32
    %div3A_51 = arith.divsi %div3A_49, %div3A_50 : i32
    %rem3A_52 = arith.constant 1 : i32
    %rem3A_53 = arith.constant 4 : i32
    %rem3A_54 = arith.remsi %rem3A_52, %rem3A_53 : i32
    %mul3A_55 = arith.constant 4096 : i32
    %mul3A_56 = arith.muli %rem3A_54, %mul3A_55 : i32
    %add3A_57 = arith.addi %mul3A_56, %mul3A_2 : i32
    %mul3A_58 = arith.constant 8 : i32
    %mul3A_59 = arith.muli %div3A_51, %mul3A_58 : i32
    %add3A_60 = arith.addi %add3A_57, %mul3A_59 : i32
    %mul3A_61 = arith.constant 2048 : i32
    %mul3A_62 = arith.muli %add3A_60, %mul3A_61 : i32
    %rem3A_63 = arith.constant 1 : i32
    %rem3A_64 = arith.constant 5 : i32
    %rem3A_65 = arith.remsi %rem3A_63, %rem3A_64 : i32
    %mul3A_66 = arith.constant 16384 : i32
    %mul3A_67 = arith.muli %rem3A_65, %mul3A_66 : i32
    %dma_start3A_68 = tpu.memref_slice %arg6[%mul3A_67] : memref<81920xf32, #tpu.memory_space<vmem>> -> memref<16384xf32, #tpu.memory_space<vmem>>
    %dma_start3A_69 = tpu.memref_slice %arg2[%mul3A_62] : memref<33554432xf32, #tpu.memory_space<hbm>> -> memref<16384xf32, #tpu.memory_space<hbm>>
    %dma_start3A_70 = tpu.memref_slice %arg6[%mul3A_67] : memref<81920xf32, #tpu.memory_space<vmem>> -> memref<16384xf32, #tpu.memory_space<vmem>>
    %dma_start3A_71 = tpu.memref_slice %arg2[%mul3A_62] : memref<33554432xf32, #tpu.memory_space<hbm>> -> memref<16384xf32, #tpu.memory_space<hbm>>
    tpu.enqueue_dma source(%dma_start3A_71 : memref<16384xf32, #tpu.memory_space<hbm>>) target(%dma_start3A_70 : memref<16384xf32, #tpu.memory_space<vmem>>) target_semaphore(%arg8 : memref<!tpu.dma_semaphore, #tpu.memory_space<semaphore_mem>>)
    %scan3A = arith.constant 0 : i32
    %scan3A_72 = arith.constant 0 : i32
    %scan3A_73 = arith.constant 64 : i32
    %scan3A_74 = arith.addi %scan3A_72, %scan3A_73 : i32
    %scan3A_75 = arith.constant 1 : i32
    scf.for %scan3A_191 = %scan3A_72 to %scan3A_74 step %scan3A_75  : i32 {
      %div3A_192 = arith.constant 4 : i32
      %div3A_193 = arith.divsi %scan3A_191, %div3A_192 : i32
      %rem3A_194 = arith.constant 4 : i32
      %rem3A_195 = arith.remsi %scan3A_191, %rem3A_194 : i32
      %eq3A = arith.constant 0 : i32
      %eq3A_196 = arith.cmpi eq, %rem3A_195, %eq3A : i32
      %convert_element_type3A = arith.extui %eq3A_196 : i1 to i32
      %cond3A = arith.constant 0 : i32
      %cond3A_197 = arith.cmpi ne, %convert_element_type3A, %cond3A : i32
      scf.if %cond3A_197 {
        %rem3A_263 = arith.constant 2 : i32
        %rem3A_264 = arith.remsi %div3A_193, %rem3A_263 : i32
        %mul3A_265 = arith.constant 16384 : i32
        %mul3A_266 = arith.muli %rem3A_264, %mul3A_265 : i32
        %mul3A_267 = arith.constant 8 : i32
        %mul3A_268 = arith.muli %div3A_193, %mul3A_267 : i32
        %add3A_269 = arith.addi %mul3A_2, %mul3A_268 : i32
        %mul3A_270 = arith.constant 2048 : i32
        %mul3A_271 = arith.muli %add3A_269, %mul3A_270 : i32
        %dma_wait3A_272 = tpu.memref_slice %arg5[%mul3A_266] : memref<32768xf32, #tpu.memory_space<vmem>> -> memref<16384xf32, #tpu.memory_space<vmem>>
        %dma_wait3A_273 = tpu.memref_slice %arg3[%mul3A_271] : memref<8388608xf32, #tpu.memory_space<hbm>> -> memref<16384xf32, #tpu.memory_space<hbm>>
        %dma_wait3A_274 = tpu.memref_slice %arg5[%mul3A_266] : memref<32768xf32, #tpu.memory_space<vmem>> -> memref<16384xf32, #tpu.memory_space<vmem>>
        %dma_wait3A_275 = tpu.memref_slice %arg3[%mul3A_271] : memref<8388608xf32, #tpu.memory_space<hbm>> -> memref<16384xf32, #tpu.memory_space<hbm>>
        tpu.wait_dma2 semaphore(%arg7 : memref<!tpu.dma_semaphore, #tpu.memory_space<semaphore_mem>>) src(%dma_wait3A_275 : memref<16384xf32, #tpu.memory_space<hbm>>) dst(%dma_wait3A_274 : memref<16384xf32, #tpu.memory_space<vmem>>)
      } else {
      }
      %div3A_198 = arith.constant 4 : i32
      %div3A_199 = arith.divsi %scan3A_191, %div3A_198 : i32
      %rem3A_200 = arith.constant 4 : i32
      %rem3A_201 = arith.remsi %scan3A_191, %rem3A_200 : i32
      %mul3A_202 = arith.constant 4096 : i32
      %mul3A_203 = arith.muli %rem3A_201, %mul3A_202 : i32
      %add3A_204 = arith.addi %mul3A_203, %mul3A_2 : i32
      %mul3A_205 = arith.constant 8 : i32
      %mul3A_206 = arith.muli %div3A_199, %mul3A_205 : i32
      %add3A_207 = arith.addi %add3A_204, %mul3A_206 : i32
      %mul3A_208 = arith.constant 2048 : i32
      %mul3A_209 = arith.muli %add3A_207, %mul3A_208 : i32
      %rem3A_210 = arith.constant 5 : i32
      %rem3A_211 = arith.remsi %scan3A_191, %rem3A_210 : i32
      %mul3A_212 = arith.constant 16384 : i32
      %mul3A_213 = arith.muli %rem3A_211, %mul3A_212 : i32
      %dma_wait3A_214 = tpu.memref_slice %arg6[%mul3A_213] : memref<81920xf32, #tpu.memory_space<vmem>> -> memref<16384xf32, #tpu.memory_space<vmem>>
      %dma_wait3A_215 = tpu.memref_slice %arg2[%mul3A_209] : memref<33554432xf32, #tpu.memory_space<hbm>> -> memref<16384xf32, #tpu.memory_space<hbm>>
      %dma_wait3A_216 = tpu.memref_slice %arg6[%mul3A_213] : memref<81920xf32, #tpu.memory_space<vmem>> -> memref<16384xf32, #tpu.memory_space<vmem>>
      %dma_wait3A_217 = tpu.memref_slice %arg2[%mul3A_209] : memref<33554432xf32, #tpu.memory_space<hbm>> -> memref<16384xf32, #tpu.memory_space<hbm>>
      tpu.wait_dma2 semaphore(%arg8 : memref<!tpu.dma_semaphore, #tpu.memory_space<semaphore_mem>>) src(%dma_wait3A_217 : memref<16384xf32, #tpu.memory_space<hbm>>) dst(%dma_wait3A_216 : memref<16384xf32, #tpu.memory_space<vmem>>)
      %rem3A_218 = arith.constant 2 : i32
      %rem3A_219 = arith.remsi %div3A_193, %rem3A_218 : i32
      %mul3A_220 = arith.constant 16384 : i32
      %mul3A_221 = arith.muli %rem3A_219, %mul3A_220 : i32
      %rem3A_222 = arith.constant 5 : i32
      %rem3A_223 = arith.remsi %scan3A_191, %rem3A_222 : i32
      %mul3A_224 = arith.constant 16384 : i32
      %mul3A_225 = arith.muli %rem3A_223, %mul3A_224 : i32
      %parallel_loop3A = arith.constant 0 : i32
      %parallel_loop3A_226 = arith.constant 1024 : i32
      %parallel_loop3A_227 = arith.constant 1 : i32
      scf.for %parallel_loop3A_263 = %parallel_loop3A to %parallel_loop3A_226 step %parallel_loop3A_227  : i32 {
        %parallel_loop3A_264 = arith.constant 16 : i32
        %parallel_loop3A_265 = arith.muli %parallel_loop3A_263, %parallel_loop3A_264 : i32
        %parallel_loop3A_266 = arith.addi %mul3A_221, %parallel_loop3A_265 : i32
        %parallel_loop3A_267 = arith.index_cast %parallel_loop3A_266 : i32 to index
        %parallel_loop3A_268 = tpu.vector_load %arg5[%parallel_loop3A_267] {strides = array<i32>} : memref<32768xf32, #tpu.memory_space<vmem>>, vector<16xf32>,
        %parallel_loop3A_269 = vector.shape_cast %parallel_loop3A_268 : vector<16xf32> to vector<16xf32>
        %parallel_loop3A_270 = arith.addi %mul3A_225, %parallel_loop3A_265 : i32
        %parallel_loop3A_271 = arith.index_cast %parallel_loop3A_270 : i32 to index
        %parallel_loop3A_272 = tpu.vector_load %arg6[%parallel_loop3A_271] {strides = array<i32>} : memref<81920xf32, #tpu.memory_space<vmem>>, vector<16xf32>,
        %parallel_loop3A_273 = vector.shape_cast %parallel_loop3A_272 : vector<16xf32> to vector<16xf32>
        %parallel_loop3A_274 = vector.shape_cast %parallel_loop3A_269 : vector<16xf32> to vector<16xf32>
        tpu.vector_store %arg6[%parallel_loop3A_271], %parallel_loop3A_274 {add = true, strides = array<i32>} : memref<81920xf32, #tpu.memory_space<vmem>>, vector<16xf32>,
      } {sc.loop_unroll_factor = 8 : i64, sc.parallel_access}
      %rem3A_228 = arith.constant 5 : i32
      %rem3A_229 = arith.remsi %scan3A_191, %rem3A_228 : i32
      %mul3A_230 = arith.constant 16384 : i32
      %mul3A_231 = arith.muli %rem3A_229, %mul3A_230 : i32
      %div3A_232 = arith.constant 4 : i32
      %div3A_233 = arith.divsi %scan3A_191, %div3A_232 : i32
      %rem3A_234 = arith.constant 4 : i32
      %rem3A_235 = arith.remsi %scan3A_191, %rem3A_234 : i32
      %mul3A_236 = arith.constant 4096 : i32
      %mul3A_237 = arith.muli %rem3A_235, %mul3A_236 : i32
      %add3A_238 = arith.addi %mul3A_237, %mul3A_2 : i32
      %mul3A_239 = arith.constant 8 : i32
      %mul3A_240 = arith.muli %div3A_233, %mul3A_239 : i32
      %add3A_241 = arith.addi %add3A_238, %mul3A_240 : i32
      %mul3A_242 = arith.constant 2048 : i32
      %mul3A_243 = arith.muli %add3A_241, %mul3A_242 : i32
      %dma_start3A_244 = tpu.memref_slice %arg6[%mul3A_231] : memref<81920xf32, #tpu.memory_space<vmem>> -> memref<16384xf32, #tpu.memory_space<vmem>>
      %dma_start3A_245 = tpu.memref_slice %arg4[%mul3A_243] : memref<33554432xf32, #tpu.memory_space<hbm>> -> memref<16384xf32, #tpu.memory_space<hbm>>
      %dma_start3A_246 = tpu.memref_slice %arg4[%mul3A_243] : memref<33554432xf32, #tpu.memory_space<hbm>> -> memref<16384xf32, #tpu.memory_space<hbm>>
      %dma_start3A_247 = tpu.memref_slice %arg6[%mul3A_231] : memref<81920xf32, #tpu.memory_space<vmem>> -> memref<16384xf32, #tpu.memory_space<vmem>>
      tpu.enqueue_dma source(%dma_start3A_247 : memref<16384xf32, #tpu.memory_space<vmem>>) target(%dma_start3A_246 : memref<16384xf32, #tpu.memory_space<hbm>>) target_semaphore(%arg9 : memref<!tpu.dma_semaphore, #tpu.memory_space<semaphore_mem>>)
      %eq3A_248 = arith.constant 3 : i32
      %eq3A_249 = arith.cmpi eq, %rem3A_195, %eq3A_248 : i32
      %add3A_250 = arith.constant 2 : i32
      %add3A_251 = arith.addi %div3A_193, %add3A_250 : i32
      %lt3A = arith.constant 16 : i32
      %lt3A_252 = arith.cmpi slt, %add3A_251, %lt3A : i32
      %and3A = arith.andi %eq3A_249, %lt3A_252 : i1
      %convert_element_type3A_253 = arith.extui %and3A : i1 to i32
      %cond3A_254 = arith.constant 0 : i32
      %cond3A_255 = arith.cmpi ne, %convert_element_type3A_253, %cond3A_254 : i32
      scf.if %cond3A_255 {
        %add3A_263 = arith.constant 2 : i32
        %add3A_264 = arith.addi %div3A_193, %add3A_263 : i32
        %rem3A_265 = arith.constant 2 : i32
        %rem3A_266 = arith.remsi %add3A_264, %rem3A_265 : i32
        %mul3A_267 = arith.constant 16384 : i32
        %mul3A_268 = arith.muli %rem3A_266, %mul3A_267 : i32
        %mul3A_269 = arith.constant 8 : i32
        %mul3A_270 = arith.muli %add3A_264, %mul3A_269 : i32
        %add3A_271 = arith.addi %mul3A_2, %mul3A_270 : i32
        %mul3A_272 = arith.constant 2048 : i32
        %mul3A_273 = arith.muli %add3A_271, %mul3A_272 : i32
        %dma_start3A_274 = tpu.memref_slice %arg5[%mul3A_268] : memref<32768xf32, #tpu.memory_space<vmem>> -> memref<16384xf32, #tpu.memory_space<vmem>>
        %dma_start3A_275 = tpu.memref_slice %arg3[%mul3A_273] : memref<8388608xf32, #tpu.memory_space<hbm>> -> memref<16384xf32, #tpu.memory_space<hbm>>
        %dma_start3A_276 = tpu.memref_slice %arg5[%mul3A_268] : memref<32768xf32, #tpu.memory_space<vmem>> -> memref<16384xf32, #tpu.memory_space<vmem>>
        %dma_start3A_277 = tpu.memref_slice %arg3[%mul3A_273] : memref<8388608xf32, #tpu.memory_space<hbm>> -> memref<16384xf32, #tpu.memory_space<hbm>>
        tpu.enqueue_dma source(%dma_start3A_277 : memref<16384xf32, #tpu.memory_space<hbm>>) target(%dma_start3A_276 : memref<16384xf32, #tpu.memory_space<vmem>>) target_semaphore(%arg7 : memref<!tpu.dma_semaphore, #tpu.memory_space<semaphore_mem>>)
      } else {
      }
      %add3A_256 = arith.constant 2 : i32
      %add3A_257 = arith.addi %scan3A_191, %add3A_256 : i32
      %lt3A_258 = arith.constant 64 : i32
      %lt3A_259 = arith.cmpi slt, %add3A_257, %lt3A_258 : i32
      %convert_element_type3A_260 = arith.extui %lt3A_259 : i1 to i32
      %cond3A_261 = arith.constant 0 : i32
      %cond3A_262 = arith.cmpi ne, %convert_element_type3A_260, %cond3A_261 : i32
      scf.if %cond3A_262 {
        %ge3A = arith.constant 3 : i32
        %ge3A_263 = arith.cmpi sge, %scan3A_191, %ge3A : i32
        %convert_element_type3A_264 = arith.extui %ge3A_263 : i1 to i32
        %cond3A_265 = arith.constant 0 : i32
        %cond3A_266 = arith.cmpi ne, %convert_element_type3A_264, %cond3A_265 : i32
        scf.if %cond3A_266 {
          %sub3A = arith.constant 3 : i32
          %sub3A_289 = arith.subi %scan3A_191, %sub3A : i32
          %rem3A_290 = arith.constant 5 : i32
          %rem3A_291 = arith.remsi %sub3A_289, %rem3A_290 : i32
          %mul3A_292 = arith.constant 16384 : i32
          %mul3A_293 = arith.muli %rem3A_291, %mul3A_292 : i32
          %div3A_294 = arith.constant 4 : i32
          %div3A_295 = arith.divsi %sub3A_289, %div3A_294 : i32
          %rem3A_296 = arith.constant 4 : i32
          %rem3A_297 = arith.remsi %sub3A_289, %rem3A_296 : i32
          %mul3A_298 = arith.constant 4096 : i32
          %mul3A_299 = arith.muli %rem3A_297, %mul3A_298 : i32
          %add3A_300 = arith.addi %mul3A_299, %mul3A_2 : i32
          %mul3A_301 = arith.constant 8 : i32
          %mul3A_302 = arith.muli %div3A_295, %mul3A_301 : i32
          %add3A_303 = arith.addi %add3A_300, %mul3A_302 : i32
          %mul3A_304 = arith.constant 2048 : i32
          %mul3A_305 = arith.muli %add3A_303, %mul3A_304 : i32
          %dma_wait3A_306 = tpu.memref_slice %arg6[%mul3A_293] : memref<81920xf32, #tpu.memory_space<vmem>> -> memref<16384xf32, #tpu.memory_space<vmem>>
          %dma_wait3A_307 = tpu.memref_slice %arg4[%mul3A_305] : memref<33554432xf32, #tpu.memory_space<hbm>> -> memref<16384xf32, #tpu.memory_space<hbm>>
          %dma_wait3A_308 = tpu.memref_slice %arg4[%mul3A_305] : memref<33554432xf32, #tpu.memory_space<hbm>> -> memref<16384xf32, #tpu.memory_space<hbm>>
          %dma_wait3A_309 = tpu.memref_slice %arg6[%mul3A_293] : memref<81920xf32, #tpu.memory_space<vmem>> -> memref<16384xf32, #tpu.memory_space<vmem>>
          tpu.wait_dma2 semaphore(%arg9 : memref<!tpu.dma_semaphore, #tpu.memory_space<semaphore_mem>>) src(%dma_wait3A_309 : memref<16384xf32, #tpu.memory_space<vmem>>) dst(%dma_wait3A_308 : memref<16384xf32, #tpu.memory_space<hbm>>)
        } else {
        }
        %add3A_267 = arith.constant 2 : i32
        %add3A_268 = arith.addi %scan3A_191, %add3A_267 : i32
        %div3A_269 = arith.constant 4 : i32
        %div3A_270 = arith.divsi %add3A_268, %div3A_269 : i32
        %rem3A_271 = arith.constant 4 : i32
        %rem3A_272 = arith.remsi %add3A_268, %rem3A_271 : i32
        %mul3A_273 = arith.constant 4096 : i32
        %mul3A_274 = arith.muli %rem3A_272, %mul3A_273 : i32
        %add3A_275 = arith.addi %mul3A_274, %mul3A_2 : i32
        %mul3A_276 = arith.constant 8 : i32
        %mul3A_277 = arith.muli %div3A_270, %mul3A_276 : i32
        %add3A_278 = arith.addi %add3A_275, %mul3A_277 : i32
        %mul3A_279 = arith.constant 2048 : i32
        %mul3A_280 = arith.muli %add3A_278, %mul3A_279 : i32
        %rem3A_281 = arith.constant 5 : i32
        %rem3A_282 = arith.remsi %add3A_268, %rem3A_281 : i32
        %mul3A_283 = arith.constant 16384 : i32
        %mul3A_284 = arith.muli %rem3A_282, %mul3A_283 : i32
        %dma_start3A_285 = tpu.memref_slice %arg6[%mul3A_284] : memref<81920xf32, #tpu.memory_space<vmem>> -> memref<16384xf32, #tpu.memory_space<vmem>>
        %dma_start3A_286 = tpu.memref_slice %arg2[%mul3A_280] : memref<33554432xf32, #tpu.memory_space<hbm>> -> memref<16384xf32, #tpu.memory_space<hbm>>
        %dma_start3A_287 = tpu.memref_slice %arg6[%mul3A_284] : memref<81920xf32, #tpu.memory_space<vmem>> -> memref<16384xf32, #tpu.memory_space<vmem>>
        %dma_start3A_288 = tpu.memref_slice %arg2[%mul3A_280] : memref<33554432xf32, #tpu.memory_space<hbm>> -> memref<16384xf32, #tpu.memory_space<hbm>>
        tpu.enqueue_dma source(%dma_start3A_288 : memref<16384xf32, #tpu.memory_space<hbm>>) target(%dma_start3A_287 : memref<16384xf32, #tpu.memory_space<vmem>>) target_semaphore(%arg8 : memref<!tpu.dma_semaphore, #tpu.memory_space<semaphore_mem>>)
      } else {
      }
    }
    %scan3A_76 = arith.constant 64 : i32
    %rem3A_77 = arith.constant 59 : i32
    %rem3A_78 = arith.constant 5 : i32
    %rem3A_79 = arith.remsi %rem3A_77, %rem3A_78 : i32
    %mul3A_80 = arith.constant 16384 : i32
    %mul3A_81 = arith.muli %rem3A_79, %mul3A_80 : i32
    %div3A_82 = arith.constant 59 : i32
    %div3A_83 = arith.constant 4 : i32
    %div3A_84 = arith.divsi %div3A_82, %div3A_83 : i32
    %rem3A_85 = arith.constant 59 : i32
    %rem3A_86 = arith.constant 4 : i32
    %rem3A_87 = arith.remsi %rem3A_85, %rem3A_86 : i32
    %mul3A_88 = arith.constant 4096 : i32
    %mul3A_89 = arith.muli %rem3A_87, %mul3A_88 : i32
    %add3A_90 = arith.addi %mul3A_89, %mul3A_2 : i32
    %mul3A_91 = arith.constant 8 : i32
    %mul3A_92 = arith.muli %div3A_84, %mul3A_91 : i32
    %add3A_93 = arith.addi %add3A_90, %mul3A_92 : i32
    %mul3A_94 = arith.constant 2048 : i32
    %mul3A_95 = arith.muli %add3A_93, %mul3A_94 : i32
    %dma_wait3A = tpu.memref_slice %arg6[%mul3A_81] : memref<81920xf32, #tpu.memory_space<vmem>> -> memref<16384xf32, #tpu.memory_space<vmem>>
    %dma_wait3A_96 = tpu.memref_slice %arg4[%mul3A_95] : memref<33554432xf32, #tpu.memory_space<hbm>> -> memref<16384xf32, #tpu.memory_space<hbm>>
    %dma_wait3A_97 = tpu.memref_slice %arg4[%mul3A_95] : memref<33554432xf32, #tpu.memory_space<hbm>> -> memref<16384xf32, #tpu.memory_space<hbm>>
    %dma_wait3A_98 = tpu.memref_slice %arg6[%mul3A_81] : memref<81920xf32, #tpu.memory_space<vmem>> -> memref<16384xf32, #tpu.memory_space<vmem>>
    tpu.wait_dma2 semaphore(%arg9 : memref<!tpu.dma_semaphore, #tpu.memory_space<semaphore_mem>>) src(%dma_wait3A_98 : memref<16384xf32, #tpu.memory_space<vmem>>) dst(%dma_wait3A_97 : memref<16384xf32, #tpu.memory_space<hbm>>)
    %rem3A_99 = arith.constant 60 : i32
    %rem3A_100 = arith.constant 5 : i32
    %rem3A_101 = arith.remsi %rem3A_99, %rem3A_100 : i32
    %mul3A_102 = arith.constant 16384 : i32
    %mul3A_103 = arith.muli %rem3A_101, %mul3A_102 : i32
    %div3A_104 = arith.constant 60 : i32
    %div3A_105 = arith.constant 4 : i32
    %div3A_106 = arith.divsi %div3A_104, %div3A_105 : i32
    %rem3A_107 = arith.constant 60 : i32
    %rem3A_108 = arith.constant 4 : i32
    %rem3A_109 = arith.remsi %rem3A_107, %rem3A_108 : i32
    %mul3A_110 = arith.constant 4096 : i32
    %mul3A_111 = arith.muli %rem3A_109, %mul3A_110 : i32
    %add3A_112 = arith.addi %mul3A_111, %mul3A_2 : i32
    %mul3A_113 = arith.constant 8 : i32
    %mul3A_114 = arith.muli %div3A_106, %mul3A_113 : i32
    %add3A_115 = arith.addi %add3A_112, %mul3A_114 : i32
    %mul3A_116 = arith.constant 2048 : i32
    %mul3A_117 = arith.muli %add3A_115, %mul3A_116 : i32
    %dma_wait3A_118 = tpu.memref_slice %arg6[%mul3A_103] : memref<81920xf32, #tpu.memory_space<vmem>> -> memref<16384xf32, #tpu.memory_space<vmem>>
    %dma_wait3A_119 = tpu.memref_slice %arg4[%mul3A_117] : memref<33554432xf32, #tpu.memory_space<hbm>> -> memref<16384xf32, #tpu.memory_space<hbm>>
    %dma_wait3A_120 = tpu.memref_slice %arg4[%mul3A_117] : memref<33554432xf32, #tpu.memory_space<hbm>> -> memref<16384xf32, #tpu.memory_space<hbm>>
    %dma_wait3A_121 = tpu.memref_slice %arg6[%mul3A_103] : memref<81920xf32, #tpu.memory_space<vmem>> -> memref<16384xf32, #tpu.memory_space<vmem>>
    tpu.wait_dma2 semaphore(%arg9 : memref<!tpu.dma_semaphore, #tpu.memory_space<semaphore_mem>>) src(%dma_wait3A_121 : memref<16384xf32, #tpu.memory_space<vmem>>) dst(%dma_wait3A_120 : memref<16384xf32, #tpu.memory_space<hbm>>)
    %rem3A_122 = arith.constant 61 : i32
    %rem3A_123 = arith.constant 5 : i32
    %rem3A_124 = arith.remsi %rem3A_122, %rem3A_123 : i32
    %mul3A_125 = arith.constant 16384 : i32
    %mul3A_126 = arith.muli %rem3A_124, %mul3A_125 : i32
    %div3A_127 = arith.constant 61 : i32
    %div3A_128 = arith.constant 4 : i32
    %div3A_129 = arith.divsi %div3A_127, %div3A_128 : i32
    %rem3A_130 = arith.constant 61 : i32
    %rem3A_131 = arith.constant 4 : i32
    %rem3A_132 = arith.remsi %rem3A_130, %rem3A_131 : i32
    %mul3A_133 = arith.constant 4096 : i32
    %mul3A_134 = arith.muli %rem3A_132, %mul3A_133 : i32
    %add3A_135 = arith.addi %mul3A_134, %mul3A_2 : i32
    %mul3A_136 = arith.constant 8 : i32
    %mul3A_137 = arith.muli %div3A_129, %mul3A_136 : i32
    %add3A_138 = arith.addi %add3A_135, %mul3A_137 : i32
    %mul3A_139 = arith.constant 2048 : i32
    %mul3A_140 = arith.muli %add3A_138, %mul3A_139 : i32
    %dma_wait3A_141 = tpu.memref_slice %arg6[%mul3A_126] : memref<81920xf32, #tpu.memory_space<vmem>> -> memref<16384xf32, #tpu.memory_space<vmem>>
    %dma_wait3A_142 = tpu.memref_slice %arg4[%mul3A_140] : memref<33554432xf32, #tpu.memory_space<hbm>> -> memref<16384xf32, #tpu.memory_space<hbm>>
    %dma_wait3A_143 = tpu.memref_slice %arg4[%mul3A_140] : memref<33554432xf32, #tpu.memory_space<hbm>> -> memref<16384xf32, #tpu.memory_space<hbm>>
    %dma_wait3A_144 = tpu.memref_slice %arg6[%mul3A_126] : memref<81920xf32, #tpu.memory_space<vmem>> -> memref<16384xf32, #tpu.memory_space<vmem>>
    tpu.wait_dma2 semaphore(%arg9 : memref<!tpu.dma_semaphore, #tpu.memory_space<semaphore_mem>>) src(%dma_wait3A_144 : memref<16384xf32, #tpu.memory_space<vmem>>) dst(%dma_wait3A_143 : memref<16384xf32, #tpu.memory_space<hbm>>)
    %rem3A_145 = arith.constant 62 : i32
    %rem3A_146 = arith.constant 5 : i32
    %rem3A_147 = arith.remsi %rem3A_145, %rem3A_146 : i32
    %mul3A_148 = arith.constant 16384 : i32
    %mul3A_149 = arith.muli %rem3A_147, %mul3A_148 : i32
    %div3A_150 = arith.constant 62 : i32
    %div3A_151 = arith.constant 4 : i32
    %div3A_152 = arith.divsi %div3A_150, %div3A_151 : i32
    %rem3A_153 = arith.constant 62 : i32
    %rem3A_154 = arith.constant 4 : i32
    %rem3A_155 = arith.remsi %rem3A_153, %rem3A_154 : i32
    %mul3A_156 = arith.constant 4096 : i32
    %mul3A_157 = arith.muli %rem3A_155, %mul3A_156 : i32
    %add3A_158 = arith.addi %mul3A_157, %mul3A_2 : i32
    %mul3A_159 = arith.constant 8 : i32
    %mul3A_160 = arith.muli %div3A_152, %mul3A_159 : i32
    %add3A_161 = arith.addi %add3A_158, %mul3A_160 : i32
    %mul3A_162 = arith.constant 2048 : i32
    %mul3A_163 = arith.muli %add3A_161, %mul3A_162 : i32
    %dma_wait3A_164 = tpu.memref_slice %arg6[%mul3A_149] : memref<81920xf32, #tpu.memory_space<vmem>> -> memref<16384xf32, #tpu.memory_space<vmem>>
    %dma_wait3A_165 = tpu.memref_slice %arg4[%mul3A_163] : memref<33554432xf32, #tpu.memory_space<hbm>> -> memref<16384xf32, #tpu.memory_space<hbm>>
    %dma_wait3A_166 = tpu.memref_slice %arg4[%mul3A_163] : memref<33554432xf32, #tpu.memory_space<hbm>> -> memref<16384xf32, #tpu.memory_space<hbm>>
    %dma_wait3A_167 = tpu.memref_slice %arg6[%mul3A_149] : memref<81920xf32, #tpu.memory_space<vmem>> -> memref<16384xf32, #tpu.memory_space<vmem>>
    tpu.wait_dma2 semaphore(%arg9 : memref<!tpu.dma_semaphore, #tpu.memory_space<semaphore_mem>>) src(%dma_wait3A_167 : memref<16384xf32, #tpu.memory_space<vmem>>) dst(%dma_wait3A_166 : memref<16384xf32, #tpu.memory_space<hbm>>)
    %rem3A_168 = arith.constant 63 : i32
    %rem3A_169 = arith.constant 5 : i32
    %rem3A_170 = arith.remsi %rem3A_168, %rem3A_169 : i32
    %mul3A_171 = arith.constant 16384 : i32
    %mul3A_172 = arith.muli %rem3A_170, %mul3A_171 : i32
    %div3A_173 = arith.constant 63 : i32
    %div3A_174 = arith.constant 4 : i32
    %div3A_175 = arith.divsi %div3A_173, %div3A_174 : i32
    %rem3A_176 = arith.constant 63 : i32
    %rem3A_177 = arith.constant 4 : i32
    %rem3A_178 = arith.remsi %rem3A_176, %rem3A_177 : i32
    %mul3A_179 = arith.constant 4096 : i32
    %mul3A_180 = arith.muli %rem3A_178, %mul3A_179 : i32
    %add3A_181 = arith.addi %mul3A_180, %mul3A_2 : i32
    %mul3A_182 = arith.constant 8 : i32
    %mul3A_183 = arith.muli %div3A_175, %mul3A_182 : i32
    %add3A_184 = arith.addi %add3A_181, %mul3A_183 : i32
    %mul3A_185 = arith.constant 2048 : i32
    %mul3A_186 = arith.muli %add3A_184, %mul3A_185 : i32
    %dma_wait3A_187 = tpu.memref_slice %arg6[%mul3A_172] : memref<81920xf32, #tpu.memory_space<vmem>> -> memref<16384xf32, #tpu.memory_space<vmem>>
    %dma_wait3A_188 = tpu.memref_slice %arg4[%mul3A_186] : memref<33554432xf32, #tpu.memory_space<hbm>> -> memref<16384xf32, #tpu.memory_space<hbm>>
    %dma_wait3A_189 = tpu.memref_slice %arg4[%mul3A_186] : memref<33554432xf32, #tpu.memory_space<hbm>> -> memref<16384xf32, #tpu.memory_space<hbm>>
    %dma_wait3A_190 = tpu.memref_slice %arg6[%mul3A_172] : memref<81920xf32, #tpu.memory_space<vmem>> -> memref<16384xf32, #tpu.memory_space<vmem>>
    tpu.wait_dma2 semaphore(%arg9 : memref<!tpu.dma_semaphore, #tpu.memory_space<semaphore_mem>>) src(%dma_wait3A_190 : memref<16384xf32, #tpu.memory_space<vmem>>) dst(%dma_wait3A_189 : memref<16384xf32, #tpu.memory_space<hbm>>)
    return
  }
}

</mosaic_0001>

<sc_bundles>
// kernel: kernel.3.cloned.1.call-start
scs
__scs_entry_jumppad:
0x0: {  	(pc) =	sbr.rel $0x88, $3  }
0x1: {  	(tag) =	ssettag $0x0;
	lr =	simm.s32 $0x1  }
0x2: {  	[smem:$0x3F9F] =	sst lr;
	_ =	strace $0xD0000000  }
0x3: {  	_ = 	snop  }
0x4: {  	_ = 	snop  }
0x5: {  	_ = 	snop  }
0x6: {  	_ = 	snop  }
0x7: {  	_ = 	snop  }
__scs_overlays_trampoline_lowered:
0x8: {  	[smem:$0x3FAE] =	sst s0  }
0x9: {  	[smem:$0x3FAF] =	sst s1  }
0xa: {  	[smem:$0x3FB0] =	sst s2  }
0xb: {  	[smem:$0x3FB1] =	sst s3  }
0xc: {  	[smem:$0x3FB2] =	sst s4  }
0xd: {  	[smem:$0x3FB3] =	sst s5  }
0xe: {  	[smem:$0x3FB4] =	sst s6  }
0xf: {  	[smem:$0x3FB5] =	sst s7  }
0x10: {  	[smem:$0x3FB6] =	sst s8  }
0x11: {  	[smem:$0x3FB7] =	sst s9;
	s0 =	simm.s32 @!p0 $0x0  }
0x12: {  	s1 =	sld [smem:$0x3F9D];
	s0 =	simm.s32 @p0 $0x1  }
0x13: {  	[smem:$0x3FB8] =	sst s0;
	s0 =	simm.s32 @!p1 $0x0  }
0x14: {  	s2 =	sld [smem:$0x3F9C];
	s0 =	simm.s32 @p1 $0x1  }
0x15: {  	[smem:$0x3FB9] =	sst s0;
	s0 =	simm.s32 @!p2 $0x0  }
0x16: {  	s3 =	sld [smem:$0x3FDB];
	s0 =	simm.s32 @p2 $0x1  }
0x17: {  	s4 =	simm.s32 $0x1BF5;
	[smem:$0x3FBB] =	sst s0  }
0x18: {  	s0 =	sld [smem:$0x3F9E];
	_ =	swait.ge [sflag:s4], $0x0  }
0x19: {  	s7 =	sld [smem:$0x3F9F]  }
0x1a: {  	s8 =	sadd.s32 $0xFFFFE003, lr  }
0x1b: {  	s9 =	sadd.s32 $0xFFFFFEF7, lr;
	s5 =	simm.s32 $0xFFFFFFFF;
	p2 =	slt.u32 s8, $0xFFFFF086  }
0x1c: {  	p1 =	slt.u32 s9, $0xF7A;
	s5 =	simm.s32 @!p2 $0x0  }
0x1d: {  	s5 =	simm.s32 @p1 $0x1;
	p0 =	seq.s32 s7, s2  }
0x1e: {  	s7 =	smul.u32 @!p0 $0xF7A, s2;
	p2 =	seq.s32 @!p0 s5, $0x0  }
0x1f: {  	s9 =	smul.u32 $0xF7A, s1;
	s8 =	simm.s32 @!p0 $0x1BF5;
	p2 =	por !p2, p0  }
0x20: {  	[sflag:s8] =	ssyncset.s32 @!p0 $0xFFFFF086;
	s6 =	sadd.s32 @!p0 s3, s7;
	s7 =	simm.s32 @!p0 $0x108  }
0x21: {  	s3 =	sadd.s32 s3, s9;
	s6 =	sadd.s32 @!p0 $0x88, s6;
	s7 =	simm.s32 @p2 $0x1082  }
0x22: {  	[simem:s7], [sflag:s8] =	dma.local @!p0 [hbm:s6], $0xF7A  }
0x23: {  	s9 =	sor.u32 $0xD0000000, s2;
	s6 =	simm.s32 $0x108;
	_ =	swait.ge @!p0 [sflag:s8], $0x0  }
0x24: {  	s3 =	sadd.s32 $0x88, s3;
	s6 =	simm.s32 @!p1 $0x1082;
	[sflag:s4] =	ssyncset.s32 $0xFFFFF086  }
0x25: {  	[simem:s6], [sflag:s4] =	dma.local [hbm:s3], $0xF7A  }
0x26: {  	[smem:$0x3F9F] =	sst s1;
	(tag) =	ssettag s2;
	_ =	strace s9  }
0x27: {  	s1 =	sld [smem:$0x3FAF]  }
0x28: {  	s2 =	sld [smem:$0x3FB0]  }
0x29: {  	s4 =	sld [smem:$0x3FB2]  }
0x2a: {  	p0 =	seq.s32 s5, $0x0;
	s5 =	sld [smem:$0x3FB3]  }
0x2b: {  	s6 =	sld [smem:$0x3FB4]  }
0x2c: {  	s7 =	sld [smem:$0x3FB5]  }
0x2d: {  	s3 =	simm.s32 $0x108;
	s8 =	sld [smem:$0x3FB6]  }
0x2e: {  	s3 =	simm.s32 @!p0 $0x1082;
	s9 =	sld [smem:$0x3FB7]  }
0x2f: {  	lr =	sadd.s32 s0, s3;
	s0 =	sld [smem:$0x3FAE]  }
0x30: {  	s3 =	sld [smem:$0x3FB1]  }
0x31: {  	[smem:$0x3FBA] =	sst s10  }
0x32: {  	s10 =	sld [smem:$0x3FB8];
	_ =	sdelay $0x3  }
0x33: {  	p0 =	seq.s32 s10, $0x1;
	s10 =	sld [smem:$0x3FBA];
	_ =	sdelay $0x3  }
0x34: {  	[smem:$0x3FBA] =	sst s10  }
0x35: {  	s10 =	sld [smem:$0x3FB9];
	_ =	sdelay $0x3  }
0x36: {  	p1 =	seq.s32 s10, $0x1;
	s10 =	sld [smem:$0x3FBA];
	_ =	sdelay $0x3  }
0x37: {  	[smem:$0x3FBA] =	sst s10  }
0x38: {  	s10 =	sld [smem:$0x3FBB]  }
0x39: {  	_ = 	snop;
	(pc) =	sbr.ind lr, $3  }
0x3a: {  	_ = 	snop  }
0x3b: {  	_ = 	snop  }
0x3c: {  	p2 =	seq.s32 s10, $0x1;
	s10 =	sld [smem:$0x3FBA]  }
0x3d: {  	_ =	shalt  }
0x3e: {  	_ =	shalt  }
0x3f: {  	_ =	shalt  }
0x40: {  	_ =	shalt  }
0x41: {  	_ =	shalt  }
0x42: {  	_ =	shalt  }
0x43: {  	_ =	shalt  }
0x44: {  	_ =	shalt  }
0x45: {  	_ =	shalt  }
0x46: {  	_ =	shalt  }
0x47: {  	_ =	shalt  }
0x48: {  	_ =	shalt  }
0x49: {  	_ =	shalt  }
0x4a: {  	_ =	shalt  }
0x4b: {  	_ =	shalt  }
0x4c: {  	_ =	shalt  }
0x4d: {  	_ =	shalt  }
0x4e: {  	_ =	shalt  }
0x4f: {  	_ =	shalt  }
0x50: {  	_ =	shalt  }
0x51: {  	_ =	shalt  }
0x52: {  	_ =	shalt  }
0x53: {  	_ =	shalt  }
0x54: {  	_ =	shalt  }
0x55: {  	_ =	shalt  }
0x56: {  	_ =	shalt  }
0x57: {  	_ =	shalt  }
0x58: {  	_ =	shalt  }
0x59: {  	_ =	shalt  }
0x5a: {  	_ =	shalt  }
0x5b: {  	_ =	shalt  }
0x5c: {  	_ =	shalt  }
0x5d: {  	_ =	shalt  }
0x5e: {  	_ =	shalt  }
0x5f: {  	_ =	shalt  }
0x60: {  	_ =	shalt  }
0x61: {  	_ =	shalt  }
0x62: {  	_ =	shalt  }
0x63: {  	_ =	shalt  }
0x64: {  	_ =	shalt  }
0x65: {  	_ =	shalt  }
0x66: {  	_ =	shalt  }
0x67: {  	_ =	shalt  }
0x68: {  	_ =	shalt  }
0x69: {  	_ =	shalt  }
0x6a: {  	_ =	shalt  }
0x6b: {  	_ =	shalt  }
0x6c: {  	_ =	shalt  }
0x6d: {  	_ =	shalt  }
0x6e: {  	_ =	shalt  }
0x6f: {  	_ =	shalt  }
0x70: {  	_ =	shalt  }
0x71: {  	_ =	shalt  }
0x72: {  	_ =	shalt  }
0x73: {  	_ =	shalt  }
0x74: {  	_ =	shalt  }
0x75: {  	_ =	shalt  }
0x76: {  	_ =	shalt  }
0x77: {  	_ =	shalt  }
0x78: {  	_ =	shalt  }
0x79: {  	_ =	shalt  }
0x7a: {  	_ =	shalt  }
0x7b: {  	_ =	shalt  }
0x7c: {  	_ =	shalt  }
0x7d: {  	_ =	shalt  }
0x7e: {  	_ =	shalt  }
0x7f: {  	_ =	shalt  }
0x80: {  	_ =	shalt  }
0x81: {  	_ =	shalt  }
0x82: {  	_ =	shalt  }
0x83: {  	_ =	shalt  }
0x84: {  	_ =	shalt  }
0x85: {  	_ =	shalt  }
0x86: {  	_ =	shalt  }
0x87: {  	_ =	shalt  }
.Lfunc_end0:
.L_simem_size_0:
called_computation.2_lowered:
.L_overlay_start_0:
0x88: {  	s2 =	sld [smem:$0x3FD9]  }
0x89: {  	s3 =	sld [smem:$0x3FFE];
	_ =	sdelay $0x1  }
0x8a: {  	s1 =	srdreg.scid  }
0x8b: {  	s0 =	sand.u32 $0x1, s1  }
0x8c: {  	s17 =	sshll.u32 s0, $0xA;
	s2 =	sadd.s32 s3, s2  }
0x8d: {  	s2 =	sadd.s32 s2, s17  }
0x8e: {  	[smem:$0x3FC6] =	sst s2  }
0x8f: {  	_ = 	snop  }
0x90: {  	s2 =	sld [smem:$0x3FD0];
	(tm) =	ssettm $0x1  }
0x91: {  	s18 =	sld [smem:$0x3FFB];
	_ =	sdelay $0x3  }
0x92: {  	_ =	strace s18  }
0x93: {  	s3 =	sld [smem:$0x3FFC];
	_ =	sdelay $0x3  }
0x94: {  	_ =	strace s3  }
0x95: {  	s3 =	sld [smem:$0x3FFD];
	_ =	sdelay $0x3  }
0x96: {  	_ =	strace s3  }
0x97: {  	_ =	strace $0x8FFFFFFF  }
0x98: {  	s19 =	sld [smem:$0x3FDB];
	_ =	sdelay $0x1  }
0x99: {  	s4 =	simm.s32 $_scs_section_size  }
0x9a: {  	s5 =	simm.s32 $_size__tile_overlayer_lowered;
	s6 =	simm.s32 $_tile_overlayer_lowered  }
0x9b: {  	s22 =	simm.s32 $0x1BFF;
	s21 =	sshll.u32 s6, $0x1;
	s3 =	sadd.s32 s4, s19  }
0x9c: {  	s7 =	simm.s32 $0x0;
	s20 =	sshll.u32 s5, $0x1;
	s5 =	sadd.s32 s21, s3  }
0x9d: {  	[timem:s7], [sflag:s22] =	dma.local [hbm:s5], s20  }
0x9e: {  	_ =	swait.ge [sflag:s22], s20  }
0x9f: {  	s4 =	ssub.s32 $0x0, s20;
	[sflag:s22] =	ssyncset.done $0x0  }
0xa0: {  	[sflag:s22] =	ssyncadd.s32 s4;
	_ =	sdelay $0x1  }
0xa1: {  	s23 =	simm.s32 $0x1B8B  }
0xa2: {  	_ =	swait.ge [sflag:s23], $0x1  }
0xa3: {  	[sflag:s23] =	ssyncset.done $0x0  }
0xa4: {  	s25 =	simm.s32 $0x1B8E;
	s24 =	sld [smem:$0x3FFE];
	[sflag:s23] =	ssyncadd.s32 $0xFFFFFFFF  }
0xa5: {  	s26 =	simm.s32 $execute0_lowered;
	[smem:$0x3FD2] =	sst s25  }
0xa6: {  	s5 =	sshll.u32 s26, $0x1;
	_ =	strace $0x8000004C;
	[dreg:$0x1] =	wrdreg $0xFFFFFFFF  }
0xa7: {  	s28 =	simm.s32 $_size_execute0_lowered;
	s3 =	sadd.s32 s3, s5;
	[dreg:$0x0] =	wrdreg $0x0  }
0xa8: {  	s5 =	sshll.u32 s28, $0x1;
	[dreg:$0x2] =	wrdreg s3  }
0xa9: {  	[dreg:$0x3] =	wrdreg s5  }
0xaa: {  	[dreg:$0x4] =	wrdreg $0xC0  }
0xab: {  	_ =	task [dreg:s7], $0x5FFFF  }
0xac: {  	[dreg:$0x1] =	wrdreg $0xFFFFFFFF  }
0xad: {  	[dreg:$0x0] =	wrdreg $0x60  }
0xae: {  	[dreg:$0x2] =	wrdreg s2  }
0xaf: {  	[dreg:$0x3] =	wrdreg s24  }
0xb0: {  	[dreg:$0x4] =	wrdreg $0x9  }
0xb1: {  	_ =	task.clear_ibuf [dreg:s7], $0x5FFFF;
	_ =	strace $0x9000004C  }
0xb2: {  	s29 =	simm.s32 $0x9;
	_ =	strace $0x8000004E  }
0xb3: {  	_ =	swait.ge [sflag:s29], $0x1  }
0xb4: {  	[sflag:s29] =	ssyncadd.s32 $0xFFFFFFFF  }
0xb5: {  	_ =	strace $0x9000004E  }
0xb6: {  	_ =	sfence  }
0xb7: {  	s30 =	sld [smem:$0x0];
	_ =	sdelay $0x2  }
0xb8: {  	s31 =	sshll.u32 s1, $0xD;
	s1 =	sshrl.u32 s1, $0x2  }
0xb9: {  	s3 =	sand.u32 $0x4000, s31;
	s1 =	sadd.s32 s1, s30  }
0xba: {  	s0 =	sor.u32 s3, s0;
	s1 =	sshll.u32 s1, $0x11  }
0xbb: {  	s0 =	sor.u32 s1, s0  }
0xbc: {  	s0 =	sadd.s32 $0x8F2B, s0  }
0xbd: {  	[sflag:s0] =	ssyncadd.remote.s32 $0x1  }
0xbe: {  	_ =	sfence.sel $0xFFFF  }
0xbf: {  	[dreg:$0x0] =	wrdreg $0xFFFFFFFF;
	(pc) =	sbr.abs _section_cstart, $3  }
0xc0: {  	[dreg:$0x1] =	wrdreg $0xFFFFFFFF  }
0xc1: {  	_ =	task.clear_ibuf [dreg:s7], $0x2FFFF;
	_ =	strace $0x9FFFFFFF  }
0xc2: {  	(tm) =	ssettm $0x7FFFFFFF  }
0xc3: {  	_ =	shalt  }
tec
execute0_lowered:
.L_overlay_start_1:
0x0: {  	(tag) =	ssettag $0x1  }
0x1: {  	s5 =	rddreg [dreg:$0x0]  }
0x2: {  	s3 =	rddreg [dreg:$0x1]  }
0x3: {  	s0 =	rddreg [dreg:$0x2];
	s4 =	srdreg.scid;
	s2 =	simm.s32 $0x0  }
0x4: {  	s1 =	stileid.u32;
	s10 =	simm.s32 $0x4000;
	s11 =	simm.s32 $0xC000  }
0x5: {  	s12 =	simm.s32 $0x2;
	s13 =	simm.s32 $0x3;
	s14 =	simm.s32 $0x0  }
0x6: {  	s4 =	sand.u32 $0x1, s4;
	s7 =	sshll.u32 s1, $0xF;
	[smem:$0x7FF] =	sst s2  }
.Ltmp0:
0x7: {  	s6 =	sshll.u32 s4, $0x13;
	s4 =	ssub.s32 $0x2, s4;
	(pc) =	sbr.rel .LBB2_1-.Ltmp0, $4  }
0x8: {  	_ =	strace $0x8000004D;
	s6 =	sor.u32 s7, s6;
	s31 =	sshrl.u32 s4, $0x1  }
0x9: {  	s8 =	sadd.s32 s6, s3;
	s9 =	ssub.s32 s4, s31;
	s5 =	sadd.s32 s5, s6  }
0xa: {  	s3 =	sadd.s32 $0xC00, s8;
	s4 =	sadd.s32 $0x1400, s8;
	s6 =	sadd.s32 $0x100000, s5  }
0xb: {  	s7 =	sadd.s32 $0x100C00, s8;
	s8 =	sadd.s32 $0x1C00, s8;
	s9 =	smax.u32 s9, $0x1  }
.LBB2_11:
0xc: {  	_ =	swait.ge [sflag:s13], $0x4000  }
0xd: {  	[sflag:s13] =	ssyncset.done $0x0  }
0xe: {  	[sflag:s13] =	ssyncadd.s32 $0xFFFFC000  }
0xf: {  	_ =	swait.ge [sflag:s13], $0x4000  }
0x10: {  	[sflag:s13] =	ssyncset.done $0x0  }
0x11: {  	[sflag:s13] =	ssyncadd.s32 $0xFFFFC000  }
0x12: {  	_ =	swait.ge [sflag:s13], $0x4000  }
0x13: {  	[sflag:s13] =	ssyncset.done $0x0  }
0x14: {  	s14 =	sadd.s32 $0x1, s14;
	[sflag:s13] =	ssyncadd.s32 $0xFFFFC000  }
0x15: {  	p0 =	sne.s32 s14, s9;
	_ =	swait.ge [sflag:s13], $0x4000  }
.Ltmp1:
0x16: {  	[sflag:s13] =	ssyncset.done $0x0;
	(pc) =	sbr.rel @!p0 .LBB2_12-.Ltmp1, $4  }
0x17: {  	[sflag:s13] =	ssyncadd.s32 $0xFFFFC000  }
0x18: {  	_ =	swait.ge [sflag:s13], $0x4000  }
0x19: {  	[sflag:s13] =	ssyncset.done $0x0  }
0x1a: {  	[sflag:s13] =	ssyncadd.s32 $0xFFFFC000  }
.LBB2_1:
0x1b: {  	[tilespmem:s2], [sflag:$0x1] =	stream.linear.gather [hbm4b:s3+s2], $0x4000, $0x38;
	[tilespmem:$0x1C000] =	vst v63  }
0x1c: {  	_ = 	snop  }
0x1d: {  	[tilespmem:s10], [sflag:$0x1] =	stream.linear.gather [hbm4b:s4+s2], $0x4000, $0x38;
	[tilespmem:$0x1C000] =	vst v63  }
.Ltmp2:
0x1e: {  	_ = 	snop;
	(pc) =	sbr.rel .LBB2_2-.Ltmp2, $4  }
0x1f: {  	s15 =	simm.s32 $0x8000  }
0x20: {  	[tilespmem:s15], [sflag:$0x2] =	stream.linear.gather [hbm4b:s5+s2], $0x4000, $0x38;
	[tilespmem:$0x1C000] =	vst v63  }
0x21: {  	s16 =	simm.s32 $0x0  }
0x22: {  	[tilespmem:s11], [sflag:$0x2] =	stream.linear.gather [hbm4b:s6+s2], $0x4000, $0x38;
	[tilespmem:$0x1C000] =	vst v63  }
.LBB2_5:
0x23: {  	s17 =	sshll.u32 s19, $0xE  }
0x24: {  	s18 =	sadd.s32 s18, s8;
	s17 =	sand.u32 $0x4000, s17  }
0x25: {  	[tilespmem:s17], [sflag:$0x1] =	stream.linear.gather [hbm4b:s18+s2], $0x4000, $0x38;
	[tilespmem:$0x1C000] =	vst v63  }
0x26: {  	s17 =	sadd.s32 $0x2, s16  }
.LBB2_8:
0x27: {  	_ =	swait.ge [sflag:s13], $0x4000  }
0x28: {  	[sflag:s13] =	ssyncset.done $0x0  }
0x29: {  	[sflag:s13] =	ssyncadd.s32 $0xFFFFC000  }
.LBB2_9:
0x2a: {  	s18 =	smul.u32 $0xCD, s17;
	_ =	sdelay $0x1  }
0x2b: {  	s18 =	sshrl.u32 s18, $0xA  }
0x2c: {  	s18 =	sand.u32 $0x3F, s18  }
0x2d: {  	s18 =	smul.u32 $0x5, s18;
	_ =	sdelay $0x1  }
0x2e: {  	s19 =	sshll.u32 s17, $0x14;
	s18 =	ssub.s32 s17, s18  }
0x2f: {  	s31 =	sshll.u32 s17, $0x9;
	s19 =	sand.u32 $0x300000, s19;
	s18 =	sand.u32 $0xFF, s18  }
0x30: {  	s19 =	sadd.s32 s19, s5;
	s17 =	sand.u32 $0xF800, s31;
	s18 =	sshll.u32 s18, $0xE  }
0x31: {  	s17 =	sadd.s32 s17, s19;
	s18 =	sadd.s32 $0x8000, s18  }
0x32: {  	[tilespmem:s18], [sflag:$0x2] =	stream.linear.gather [hbm4b:s17+s2], $0x4000, $0x38;
	[tilespmem:$0x1C000] =	vst v63  }
.LBB2_10:
0x33: {  	s16 =	sadd.s32 $0x1, s16  }
0x34: {  	p0 =	sne.s32 s16, $0x40  }
.Ltmp3:
0x35: {  	_ = 	snop;
	(pc) =	sbr.rel @!p0 .LBB2_11-.Ltmp3, $2  }
0x36: {  	_ =	sdelay $0x2  }
0x37: {  	s15 =	sadd.s32 $0x4000, s15  }
.LBB2_2:
0x38: {  	s17 =	sand.u32 $0x3, s16  }
0x39: {  	s18 =	sshll.u32 s16, $0xC;
	p0 =	sne.s32 s17, $0x0  }
0x3a: {  	s18 =	sand.u32 $0x4000, s18;
	s19 =	simm.s32 @!p0 $0x1  }
0x3b: {  	s18 =	sor.u32 $0x40, s18;
	_ =	swait.ge @!p0 [sflag:s19], $0x4000  }
0x3c: {  	v0 =	vmov s18;
	[sflag:s19] =	ssyncset.done @!p0 $0x0  }
0x3d: {  	[sflag:s19] =	ssyncadd.s32 @!p0 $0xFFFFC000  }
0x3e: {  	_ =	swait.ge [sflag:s12], $0x4000  }
0x3f: {  	[sflag:s12] =	ssyncset.done $0x0  }
0x40: {  	s28 =	smulhi.u32 $0xCCCCCCCD, s16;
	s29 =	simm.s32 $0x0;
	[sflag:s12] =	ssyncadd.s32 $0xFFFFC000  }
0x41: {  	v1 =	vld.idx.msk [tilespmem:v0+s29+$0x30 ss:$0x1], $0xffff  }
0x42: {  	s18 =	sshrl.u32 s28, $0x2;
	v2 =	vld.idx.msk [tilespmem:v0+s29+$0xFFFFFFC0 ss:$0x1], $0xffff  }
0x43: {  	s18 =	smul.u32 $0xFFFB0000, s18;
	v3 =	vld.idx.msk [tilespmem:v0+s29+$0xFFFFFFD0 ss:$0x1], $0xffff  }
0x44: {  	v4 =	vld.idx.msk [tilespmem:v0+s29+$0xFFFFFFE0 ss:$0x1], $0xffff  }
0x45: {  	s18 =	sshra.s32 s18, $0x2;
	v5 =	vld.idx.msk [tilespmem:v0+s29+$0xFFFFFFF0 ss:$0x1], $0xffff  }
0x46: {  	s21 =	smul.u32 $0xCD, s16;
	s18 =	sadd.s32 s18, s15;
	v6 =	vld.idx.msk [tilespmem:v0+s29+$0x0 ss:$0x1], $0xffff  }
0x47: {  	s20 =	sadd.s32 $0x0, s18;
	v7 =	vld.idx.msk [tilespmem:v0+s29+$0x10 ss:$0x1], $0xffff  }
0x48: {  	s21 =	sshrl.u32 s21, $0xA;
	[tilespmem:s20+$0x70] =	vst.add.f32.msk $0xffff, v1  }
0x49: {  	s21 =	sand.u32 $0x3F, s21;
	v1 =	vld.idx.msk [tilespmem:v0+s29+$0x20 ss:$0x1], $0xffff  }
0x4a: {  	s30 =	smul.u32 $0x5, s21;
	[tilespmem:s20+$0x0] =	vst.add.f32.msk $0xffff, v2  }
0x4b: {  	[tilespmem:s20+$0x10] =	vst.add.f32.msk $0xffff, v3  }
0x4c: {  	s19 =	ssub.s32 s16, s30;
	[tilespmem:s20+$0x20] =	vst.add.f32.msk $0xffff, v4  }
0x4d: {  	s31 =	sand.u32 $0xFF, s19;
	[tilespmem:s20+$0x30] =	vst.add.f32.msk $0xffff, v5  }
0x4e: {  	s22 =	simm.s32 $0x0;
	s21 =	sshll.u32 s31, $0xE;
	[tilespmem:s20+$0x40] =	vst.add.f32.msk $0xffff, v6  }
0x4f: {  	s23 =	simm.s32 $0x200;
	s19 =	sshrl.u32 s16, $0x2;
	s21 =	sadd.s32 $0x8000, s21;
	[tilespmem:s20+$0x50] =	vst.add.f32.msk $0xffff, v7  }
.LBB2_3:
0x50: {  	s24 =	sshra.s32 s23, $0x2;
	s22 =	sadd.s32 $0x8, s22;
	[tilespmem:s20+$0x60] =	vst.add.f32.msk $0xffff, v1  }
0x51: {  	v1 =	vld.idx.msk [tilespmem:v0+s24+$0x30 ss:$0x1], $0xffff;
	p0 =	slt.u32 s22, $0x3F8  }
0x52: {  	v2 =	vld.idx.msk [tilespmem:v0+s24+$0xFFFFFFC0 ss:$0x1], $0xffff  }
0x53: {  	v3 =	vld.idx.msk [tilespmem:v0+s24+$0xFFFFFFD0 ss:$0x1], $0xffff  }
0x54: {  	v4 =	vld.idx.msk [tilespmem:v0+s24+$0xFFFFFFE0 ss:$0x1], $0xffff  }
0x55: {  	v5 =	vld.idx.msk [tilespmem:v0+s24+$0xFFFFFFF0 ss:$0x1], $0xffff  }
0x56: {  	s20 =	sadd.s32 s24, s18;
	v6 =	vld.idx.msk [tilespmem:v0+s24+$0x0 ss:$0x1], $0xffff  }
0x57: {  	[tilespmem:s20+$0x70] =	vst.add.f32.msk $0xffff, v1  }
0x58: {  	v7 =	vld.idx.msk [tilespmem:v0+s24+$0x10 ss:$0x1], $0xffff  }
0x59: {  	v1 =	vld.idx.msk [tilespmem:v0+s24+$0x20 ss:$0x1], $0xffff  }
0x5a: {  	[tilespmem:s20+$0x0] =	vst.add.f32.msk $0xffff, v2  }
.Ltmp4:
0x5b: {  	[tilespmem:s20+$0x10] =	vst.add.f32.msk $0xffff, v3;
	(pc) =	sbr.rel @p0 .LBB2_3-.Ltmp4, $4  }
0x5c: {  	[tilespmem:s20+$0x20] =	vst.add.f32.msk $0xffff, v4  }
0x5d: {  	[tilespmem:s20+$0x30] =	vst.add.f32.msk $0xffff, v5  }
0x5e: {  	[tilespmem:s20+$0x40] =	vst.add.f32.msk $0xffff, v6  }
0x5f: {  	s23 =	sadd.s32 $0x200, s23;
	[tilespmem:s20+$0x50] =	vst.add.f32.msk $0xffff, v7  }
0x60: {  	p0 =	sgt.u32 s16, $0x37  }
0x61: {  	p1 =	sne.s32 @!p0 s17, $0x3  }
0x62: {  	p0 =	por p0, p1  }
.Ltmp5:
0x63: {  	_ = 	snop;
	(pc) =	sbr.rel @!p0 .LBB2_5-.Ltmp5, $4  }
0x64: {  	s22 =	sshll.u32 s17, $0x14  }
0x65: {  	s18 =	sshll.u32 s19, $0xB;
	s22 =	sadd.s32 s22, s7  }
0x66: {  	[tilespmem:s20+$0x60] =	vst.add.f32.msk $0xffff, v1;
	s31 =	sadd.s32 s18, s22  }
0x67: {  	[hbm4b:s31+s2] =	stream.linear.scatter [tilespmem:s21], [sflag:$0x3], $0x4000, $0x38;
	[tilespmem:$0x1C000] =	vst v63  }
0x68: {  	p0 =	sgt.u32 s16, $0x3D  }
.Ltmp6:
0x69: {  	_ = 	snop;
	(pc) =	sbr.rel @p0 .LBB2_10-.Ltmp6, $1  }
0x6a: {  	_ =	sdelay $0x3  }
0x6b: {  	p0 =	slt.u32 s16, $0x3  }
.Ltmp7:
0x6c: {  	_ = 	snop;
	(pc) =	sbr.rel @p0 .LBB2_9-.Ltmp7, $4  }
.Ltmp8:
0x6d: {  	_ = 	snop;
	(pc) =	sbr.rel @!p0 .LBB2_8-.Ltmp8, $4  }
0x6e: {  	_ = 	snop  }
0x6f: {  	_ = 	snop  }
0x70: {  	s17 =	sadd.s32 $0x2, s16  }
0x71: {  	_ = 	snop  }
.LBB2_12:
0x72: {  	_ =	sfence.sel $0x180000  }
0x73: {  	[bflag:$0x0] =	sbarrier.arrive $0xFFFF  }
0x74: {  	p0 =	sne.s32 s1, $0x0;
	_ =	strace $0x9000004D  }
0x75: {  	s0 =	sadd.s32 @!p0 $0x100000, s0;
	[bflag:$0x2] =	sbarrier.arrive $0xFFFF  }
0x76: {  	[sflag:s0] =	ssyncadd.tile.s32 @!p0 $0x1;
	_ =	shalt  }
.Lfunc_end2:
_tile_overlayer_lowered:
.L_overlay_start_2:
0x77: {  	(tag) =	ssettag $0x2  }
0x78: {  	s0 =	rddreg [dreg:$0x0];
	s2 =	stileid.u32  }
0x79: {  	s1 =	rddreg [dreg:$0x1];
	p0 =	sne.s32 s2, $0x0  }
0x7a: {  	s3 =	rddreg [dreg:$0x2];
	[bflag:$0x3] =	sbarrier.arrive $0xFFFF;
	s2 =	simm.s32 @!p0 $0x1C04  }
0x7b: {  	[timem:s3], [sflag:s2] =	dma.local @!p0 [hbm:s0], s1  }
0x7c: {  	s0 =	simm.s32 @!p0 $0x4  }
0x7d: {  	_ =	swait.ge @!p0 [sflag:s0], s1  }
0x7e: {  	s1 =	ssub.s32 @!p0 $0x0, s1;
	[sflag:s0] =	ssyncset.done @!p0 $0x0  }
0x7f: {  	[sflag:s0] =	ssyncadd.s32 @!p0 s1  }
0x80: {  	[bflag:$0x3] =	sbarrier.arrive $0xFFFF  }
0x81: {  	_ =	shalt  }

// kernel: sparse-core-data-format-call.1.cloned.1.call-start
scs
called_computation.1_lowered:
.L_overlay_start_0:
0x0: {  	s2 =	sld [smem:$0x3FD9]  }
0x1: {  	s3 =	sld [smem:$0x3FFE];
	_ =	sdelay $0x1  }
0x2: {  	s1 =	srdreg.scid  }
0x3: {  	s0 =	sand.u32 $0x1, s1  }
0x4: {  	s19 =	sshll.u32 s0, $0xA;
	s2 =	sadd.s32 s3, s2  }
0x5: {  	s2 =	sadd.s32 s2, s19  }
0x6: {  	[smem:$0x3FC6] =	sst s2  }
0x7: {  	_ = 	snop  }
0x8: {  	s20 =	sld [smem:$0x3FC9]  }
0x9: {  	s4 =	sld [smem:$0x3FD0];
	(tm) =	ssettm $0x1  }
0xa: {  	s21 =	sld [smem:$0x3FFB];
	_ =	sdelay $0x3  }
0xb: {  	_ =	strace s21  }
0xc: {  	s2 =	sld [smem:$0x3FFC];
	_ =	sdelay $0x3  }
0xd: {  	_ =	strace s2  }
0xe: {  	s2 =	sld [smem:$0x3FFD];
	_ =	sdelay $0x3  }
0xf: {  	_ =	strace s2  }
0x10: {  	_ =	strace $0x8FFFFFFF  }
0x11: {  	s22 =	sld [smem:$0x3FDB];
	_ =	sdelay $0x1  }
0x12: {  	s5 =	simm.s32 $_scs_section_size  }
0x13: {  	s6 =	simm.s32 $_size__tile_overlayer_lowered;
	s7 =	simm.s32 $_tile_overlayer_lowered  }
0x14: {  	s8 =	simm.s32 $0x1BFF;
	s23 =	sshll.u32 s7, $0x1;
	s5 =	sadd.s32 s5, s22  }
0x15: {  	s24 =	simm.s32 $0x0;
	s6 =	sshll.u32 s6, $0x1;
	s7 =	sadd.s32 s23, s5  }
0x16: {  	[timem:s24], [sflag:s8] =	dma.local [hbm:s7], s6  }
0x17: {  	_ =	swait.ge [sflag:s8], s6  }
0x18: {  	s6 =	ssub.s32 $0x0, s6;
	[sflag:s8] =	ssyncset.done $0x0  }
0x19: {  	[sflag:s8] =	ssyncadd.s32 s6;
	_ =	sdelay $0x1  }
0x1a: {  	s25 =	simm.s32 $0x1B8B  }
0x1b: {  	_ =	swait.ge [sflag:s25], $0x1  }
0x1c: {  	[sflag:s25] =	ssyncset.done $0x0  }
0x1d: {  	[sflag:s25] =	ssyncadd.s32 $0xFFFFFFFF  }
0x1e: {  	s6 =	sld [smem:$0x0]  }
0x1f: {  	s7 =	sand.u32 $0xFFFFFFFE, s1  }
0x20: {  	p0 =	sne.s32 s1, s7  }
0x21: {  	s7 =	sshll.u32 @p0 s7, $0xE  }
0x22: {  	s7 =	sadd.s32 @p0 $0x11B8D, s7;
	s8 =	sshll.u32 @p0 s6, $0x11  }
0x23: {  	s7 =	sor.u32 @p0 s8, s7  }
0x24: {  	[sflag:s7] =	ssyncadd.remote.s32 @p0 $0x1;
	_ =	sdelay $0x1  }
0x25: {  	s7 =	simm.s32 @p0 $0x1B8D  }
0x26: {  	_ =	swait.eq @p0 [sflag:s7], $0x1  }
0x27: {  	[sflag:s7] =	ssyncadd.s32 @p0 $0xFFFFFFFF  }
0x28: {  	s8 =	sshll.u32 @!p0 s1, $0xE  }
0x29: {  	s8 =	sor.u32 @!p0 $0x4000, s8;
	s7 =	simm.s32 @!p0 $0x1B8D  }
0x2a: {  	s6 =	sshll.u32 @!p0 s6, $0x11;
	s8 =	sadd.s32 @!p0 $0x11B8D, s8;
	_ =	swait.eq @!p0 [sflag:s7], $0x1  }
0x2b: {  	s6 =	sor.u32 @!p0 s6, s8;
	[sflag:s7] =	ssyncadd.s32 @!p0 $0xFFFFFFFF  }
0x2c: {  	s26 =	simm.s32 $0x1B8E;
	[sflag:s6] =	ssyncadd.remote.s32 @!p0 $0x1  }
0x2d: {  	s27 =	simm.s32 $execute0_lowered;
	[smem:$0x3FD2] =	sst s26  }
0x2e: {  	s6 =	sshll.u32 s27, $0x1;
	_ =	strace $0x80000049;
	[dreg:$0x1] =	wrdreg $0xFFFFFFFF  }
0x2f: {  	s28 =	simm.s32 $_size_execute0_lowered;
	s5 =	sadd.s32 s5, s6;
	[dreg:$0x0] =	wrdreg $0x0  }
0x30: {  	s6 =	sshll.u32 s28, $0x1;
	[dreg:$0x2] =	wrdreg s5  }
0x31: {  	[dreg:$0x3] =	wrdreg s6  }
0x32: {  	[dreg:$0x4] =	wrdreg $0xC0  }
0x33: {  	_ =	task [dreg:s24], $0x5FFFF  }
0x34: {  	[dreg:$0x1] =	wrdreg $0xFFFFFFFF  }
0x35: {  	[dreg:$0x0] =	wrdreg $0x60  }
0x36: {  	[dreg:$0x2] =	wrdreg s20  }
0x37: {  	[dreg:$0x3] =	wrdreg s4  }
0x38: {  	[dreg:$0x4] =	wrdreg $0xA  }
0x39: {  	_ =	task.clear_ibuf [dreg:s24], $0x5FFFF;
	_ =	strace $0x90000049  }
0x3a: {  	s29 =	simm.s32 $0xA;
	_ =	strace $0x8000004B  }
0x3b: {  	_ =	swait.ge [sflag:s29], $0x1  }
0x3c: {  	[sflag:s29] =	ssyncadd.s32 $0xFFFFFFFF  }
0x3d: {  	_ =	strace $0x9000004B  }
0x3e: {  	_ =	sfence  }
0x3f: {  	s30 =	sld [smem:$0x0];
	_ =	sdelay $0x2  }
0x40: {  	s31 =	sshll.u32 s1, $0xD;
	s1 =	sshrl.u32 s1, $0x2  }
0x41: {  	s4 =	sand.u32 $0x4000, s31;
	s1 =	sadd.s32 s1, s30  }
0x42: {  	s0 =	sor.u32 s4, s0;
	s1 =	sshll.u32 s1, $0x11  }
0x43: {  	s0 =	sor.u32 s1, s0  }
0x44: {  	s0 =	sadd.s32 $0x8F2B, s0  }
0x45: {  	[sflag:s0] =	ssyncadd.remote.s32 $0x1  }
0x46: {  	_ =	sfence.sel $0xFFFF  }
0x47: {  	[dreg:$0x0] =	wrdreg $0xFFFFFFFF;
	(pc) =	sbr.abs _section_cstart, $3  }
0x48: {  	[dreg:$0x1] =	wrdreg $0xFFFFFFFF  }
0x49: {  	_ =	task.clear_ibuf [dreg:s24], $0x2FFFF;
	_ =	strace $0x9FFFFFFF  }
0x4a: {  	(tm) =	ssettm $0x7FFFFFFF  }
0x4b: {  	_ =	shalt  }
tec
execute0_lowered:
.L_overlay_start_1:
0x0: {  	(tag) =	ssettag $0x1  }
0x1: {  	s2 =	rddreg [dreg:$0x0]  }
0x2: {  	s3 =	rddreg [dreg:$0x1]  }
0x3: {  	s0 =	rddreg [dreg:$0x2];
	s4 =	srdreg.scid  }
.Ltmp0:
0x4: {  	_ =	strace $0x8000004A;
	s1 =	stileid.u32;
	(pc) =	sbr.rel .LBB1_1-.Ltmp0, $4  }
0x5: {  	s6 =	simm.s32 $0x2;
	p0 =	por $0x0, $0x0;
	s5 =	sshll.u32 s4, $0x4  }
0x6: {  	s9 =	simm.s32 $0x0;
	s4 =	simm.s32 $0x1;
	s5 =	sand.u32 $0x10, s5  }
0x7: {  	s7 =	simm.s32 $0x0;
	[sflag:s4] =	ssyncpa.u1 $0x0;
	s5 =	sor.u32 s1, s5  }
0x8: {  	[sflag:s6] =	ssyncpa.u1 $0x0;
	s6 =	simm.s32 $0x0;
	s8 =	smov.u32 s5  }
.LBB1_7:
0x9: {  	s11 =	sadd.s32 $0x20, s8  }
0xa: {  	p1 =	slt.u32 s7, $0x2;
	s7 =	sadd.s32 $0x1, s7;
	p2 =	sgt.s32 s11, $0x7FF  }
0xb: {  	s11 =	smov.u32 @p2 s5;
	p2 =	sne.s32 s7, $0x42  }
.Ltmp1:
0xc: {  	_ = 	snop;
	(pc) =	sbr.rel @!p2 .LBB1_8-.Ltmp1, $4  }
0xd: {  	s10 =	simm.s32 @!p1 $0x2  }
0xe: {  	_ =	swait.ge @!p1 [sflag:s10], $0x4000  }
0xf: {  	s9 =	smov.u32 s8;
	[sflag:s10] =	ssyncset.done @!p1 $0x0  }
0x10: {  	p0 =	por !p0, !p0;
	s8 =	smov.u32 s11;
	[sflag:s10] =	ssyncadd.s32 @!p1 $0xFFFFC000  }
.LBB1_1:
0x11: {  	p1 =	sgt.u32 s7, $0x3F  }
0x12: {  	s10 =	sxor.u32 @!p1 $0xFFFFFFFF, s7  }
0x13: {  	s11 =	sshll.u32 @!p1 s8, $0xB;
	s10 =	sshll.u32 @!p1 s10, $0xE  }
0x14: {  	s12 =	simm.s32 @!p1 $0x0;
	s11 =	sadd.s32 @!p1 s2, s11;
	s10 =	sand.u32 @!p1 $0x4000, s10  }
0x15: {  	[tilespmem:s10], [sflag:$0x1] =	stream.linear.gather @!p1 [hbm4b:s11+s12], $0x4000, $0x38;
	[tilespmem:$0x10000] =	vst v63  }
0x16: {  	p1 =	seq.s32 s7, $0x0  }
0x17: {  	p2 =	seq.s32 @!p1 s7, $0x41  }
0x18: {  	p1 =	por p1, p2  }
.Ltmp2:
0x19: {  	_ = 	snop;
	(pc) =	sbr.rel @p1 .LBB1_7-.Ltmp2, $1  }
0x1a: {  	_ =	sdelay $0x3  }
0x1b: {  	s10 =	simm.s32 $0x1;
	_ =	swait.ge [sflag:s4], $0x4000;
	s12 =	sshll.u32 s7, $0xE  }
0x1c: {  	s13 =	simm.s32 $0x0;
	s10 =	simm.s32 @!p0 $0x0;
	[sflag:s4] =	ssyncset.done $0x0  }
0x1d: {  	s12 =	sand.u32 $0x4000, s12;
	s11 =	sshll.u32 s10, $0xE;
	[sflag:s4] =	ssyncadd.s32 $0xFFFFC000  }
0x1e: {  	s12 =	sor.u32 $0x8000, s12;
	s10 =	sor.u32 $0x8040, s11;
	s11 =	sor.u32 $0x40, s11  }
.LBB1_3:
0x1f: {  	v0 =	vmov s11;
	_ =	sdelay $0x3  }
0x20: {  	s15 =	simm.s32 $0x0  }
0x21: {  	v6 =	vld.idx.msk [tilespmem:v0+s15+$0x30 ss:$0x1], $0xffff  }
0x22: {  	v7 =	vld.idx.msk [tilespmem:v0+s15+$0xFFFFFFC0 ss:$0x1], $0xffff  }
0x23: {  	v5 =	vld.idx.msk [tilespmem:v0+s15+$0xFFFFFFD0 ss:$0x1], $0xffff  }
0x24: {  	v4 =	vld.idx.msk [tilespmem:v0+s15+$0xFFFFFFE0 ss:$0x1], $0xffff  }
0x25: {  	v3 =	vld.idx.msk [tilespmem:v0+s15+$0xFFFFFFF0 ss:$0x1], $0xffff  }
0x26: {  	v1 =	vld.idx.msk [tilespmem:v0+s15+$0x0 ss:$0x1], $0xffff  }
0x27: {  	v2 =	vld.idx.msk [tilespmem:v0+s15+$0x10 ss:$0x1], $0xffff;
	[tilespmem:s10+$0x30] =	vst v6  }
0x28: {  	s14 =	simm.s32 $0x80;
	s16 =	simm.s32 $0x400;
	[tilespmem:s10+$0xFFFFFFC0] =	vst v7;
	v6 =	vld.idx.msk [tilespmem:v0+s15+$0x20 ss:$0x1], $0xffff;
	s15 =	smov.u32 s10  }
.LBB1_4:
0x29: {  	p1 =	sne.s32 s16, $0xE00;
	v7 =	vld.idx.msk [tilespmem:v0+s14+$0x30 ss:$0x1], $0xffff;
	[tilespmem:s15+$0xFFFFFFD0] =	vst v5  }
0x2a: {  	v8 =	vld.idx.msk [tilespmem:v0+s14+$0xFFFFFFC0 ss:$0x1], $0xffff;
	[tilespmem:s15+$0xFFFFFFE0] =	vst v4  }
0x2b: {  	v5 =	vld.idx.msk [tilespmem:v0+s14+$0xFFFFFFD0 ss:$0x1], $0xffff;
	[tilespmem:s15+$0xFFFFFFF0] =	vst v3  }
.Ltmp3:
0x2c: {  	v4 =	vld.idx.msk [tilespmem:v0+s14+$0xFFFFFFE0 ss:$0x1], $0xffff;
	[tilespmem:s15+$0x0] =	vst v1;
	(pc) =	sbr.rel @p1 .LBB1_4-.Ltmp3, $4  }
0x2d: {  	v3 =	vld.idx.msk [tilespmem:v0+s14+$0xFFFFFFF0 ss:$0x1], $0xffff;
	[tilespmem:s15+$0x10] =	vst v2  }
0x2e: {  	v1 =	vld.idx.msk [tilespmem:v0+s14+$0x0 ss:$0x1], $0xffff;
	[tilespmem:s15+$0x20] =	vst v6;
	s15 =	sadd.s32 $0x800, s15  }
0x2f: {  	v2 =	vld.idx.msk [tilespmem:v0+s14+$0x10 ss:$0x1], $0xffff;
	[tilespmem:s15+$0x30] =	vst v7  }
0x30: {  	[tilespmem:s15+$0xFFFFFFC0] =	vst v8;
	v6 =	vld.idx.msk [tilespmem:v0+s14+$0x20 ss:$0x1], $0xffff;
	s14 =	sshra.s32 s16, $0x2;
	s16 =	sadd.s32 $0x200, s16  }
0x31: {  	_ =	sdelay $0x2  }
0x32: {  	[tilespmem:s15+$0xFFFFFFD0] =	vst v5  }
0x33: {  	v56 =	vld.idx.msk [tilespmem:v0+s14+$0x30 ss:$0x1], $0xffff;
	[tilespmem:s15+$0xFFFFFFE0] =	vst v4  }
0x34: {  	v57 =	vld.idx.msk [tilespmem:v0+s14+$0xFFFFFFC0 ss:$0x1], $0xffff;
	[tilespmem:s15+$0xFFFFFFF0] =	vst v3  }
0x35: {  	v58 =	vld.idx.msk [tilespmem:v0+s14+$0xFFFFFFD0 ss:$0x1], $0xffff;
	[tilespmem:s15+$0x0] =	vst v1  }
0x36: {  	v59 =	vld.idx.msk [tilespmem:v0+s14+$0xFFFFFFE0 ss:$0x1], $0xffff;
	[tilespmem:s15+$0x10] =	vst v2  }
0x37: {  	v60 =	vld.idx.msk [tilespmem:v0+s14+$0xFFFFFFF0 ss:$0x1], $0xffff;
	s31 =	sadd.s32 $0x800, s15;
	[tilespmem:s15+$0x20] =	vst v6  }
0x38: {  	v61 =	vld.idx.msk [tilespmem:v0+s14+$0x0 ss:$0x1], $0xffff;
	[tilespmem:s31+$0x30] =	vst v56  }
0x39: {  	v62 =	vld.idx.msk [tilespmem:v0+s14+$0x10 ss:$0x1], $0xffff;
	s13 =	sadd.s32 $0x1, s13;
	[tilespmem:s31+$0xFFFFFFC0] =	vst v57  }
0x3a: {  	v63 =	vld.idx.msk [tilespmem:v0+s14+$0x20 ss:$0x1], $0xffff;
	p1 =	sne.s32 s13, $0x10;
	[tilespmem:s31+$0xFFFFFFD0] =	vst v58  }
.Ltmp4:
0x3b: {  	[tilespmem:s31+$0xFFFFFFE0] =	vst v59;
	(pc) =	sbr.rel @p1 .LBB1_3-.Ltmp4, $4  }
0x3c: {  	[tilespmem:s31+$0xFFFFFFF0] =	vst v60  }
0x3d: {  	[tilespmem:s31+$0x0] =	vst v61  }
0x3e: {  	[tilespmem:s31+$0x10] =	vst v62  }
0x3f: {  	s10 =	sadd.s32 $0x80, s10;
	s11 =	sadd.s32 $0x400, s11;
	[tilespmem:s31+$0x20] =	vst v63  }
.Ltmp5:
0x40: {  	(pc) =	sbr.rel .LBB1_7-.Ltmp5, $4  }
0x41: {  	_ = 	snop  }
0x42: {  	s9 =	sshll.u32 s9, $0xB  }
0x43: {  	s9 =	sadd.s32 s3, s9  }
0x44: {  	[hbm4b:s9+s6] =	stream.linear.scatter [tilespmem:s12], [sflag:$0x2], $0x4000, $0x38;
	[tilespmem:$0x10000] =	vst v63  }
.LBB1_8:
0x45: {  	_ =	sfence.sel $0x180000  }
0x46: {  	s2 =	simm.s32 $0x1;
	[bflag:$0x0] =	sbarrier.arrive $0xFFFF  }
0x47: {  	s31 =	simm.s32 $0x2;
	[sflag:s2] =	ssyncpa.u1 $0x1  }
0x48: {  	[sflag:s31] =	ssyncpa.u1 $0x1  }
0x49: {  	p0 =	sne.s32 s1, $0x0;
	_ =	strace $0x9000004A  }
0x4a: {  	s0 =	sadd.s32 @!p0 $0x100000, s0;
	[bflag:$0x2] =	sbarrier.arrive $0xFFFF  }
0x4b: {  	[sflag:s0] =	ssyncadd.tile.s32 @!p0 $0x1;
	_ =	shalt  }
.Lfunc_end1:
_tile_overlayer_lowered:
.L_overlay_start_2:
0x4c: {  	(tag) =	ssettag $0x2  }
0x4d: {  	s0 =	rddreg [dreg:$0x0];
	s2 =	stileid.u32  }
0x4e: {  	s1 =	rddreg [dreg:$0x1];
	p0 =	sne.s32 s2, $0x0  }
0x4f: {  	s3 =	rddreg [dreg:$0x2];
	[bflag:$0x3] =	sbarrier.arrive $0xFFFF;
	s2 =	simm.s32 @!p0 $0x1C01  }
0x50: {  	[timem:s3], [sflag:s2] =	dma.local @!p0 [hbm:s0], s1  }
0x51: {  	s0 =	simm.s32 @!p0 $0x1  }
0x52: {  	_ =	swait.ge @!p0 [sflag:s0], s1  }
0x53: {  	s1 =	ssub.s32 @!p0 $0x0, s1;
	[sflag:s0] =	ssyncset.done @!p0 $0x0  }
0x54: {  	[sflag:s0] =	ssyncadd.s32 @!p0 s1  }
0x55: {  	[bflag:$0x3] =	sbarrier.arrive $0xFFFF  }
0x56: {  	_ =	shalt  }

// kernel: sparse-core-data-format-call.cloned.1.call-start
scs
called_computation_lowered:
.L_overlay_start_0:
0x0: {  	s2 =	sld [smem:$0x3FD9]  }
0x1: {  	s3 =	sld [smem:$0x3FFE];
	_ =	sdelay $0x1  }
0x2: {  	s1 =	srdreg.scid  }
0x3: {  	s0 =	sand.u32 $0x1, s1  }
0x4: {  	s18 =	sshll.u32 s0, $0xA;
	s2 =	sadd.s32 s3, s2  }
0x5: {  	s2 =	sadd.s32 s2, s18  }
0x6: {  	[smem:$0x3FC6] =	sst s2  }
0x7: {  	_ = 	snop  }
0x8: {  	s2 =	sld [smem:$0x3FC8];
	(tm) =	ssettm $0x1  }
0x9: {  	s19 =	sld [smem:$0x3FFB];
	_ =	sdelay $0x3  }
0xa: {  	_ =	strace s19  }
0xb: {  	s3 =	sld [smem:$0x3FFC];
	_ =	sdelay $0x3  }
0xc: {  	_ =	strace s3  }
0xd: {  	s3 =	sld [smem:$0x3FFD];
	_ =	sdelay $0x3  }
0xe: {  	_ =	strace s3  }
0xf: {  	_ =	strace $0x8FFFFFFF  }
0x10: {  	s20 =	sld [smem:$0x3FDB];
	_ =	sdelay $0x1  }
0x11: {  	s4 =	simm.s32 $_scs_section_size  }
0x12: {  	s5 =	simm.s32 $_size__tile_overlayer_lowered;
	s6 =	simm.s32 $_tile_overlayer_lowered  }
0x13: {  	s23 =	simm.s32 $0x1BFF;
	s22 =	sshll.u32 s6, $0x1;
	s3 =	sadd.s32 s4, s20  }
0x14: {  	s7 =	simm.s32 $0x0;
	s21 =	sshll.u32 s5, $0x1;
	s5 =	sadd.s32 s22, s3  }
0x15: {  	[timem:s7], [sflag:s23] =	dma.local [hbm:s5], s21  }
0x16: {  	_ =	swait.ge [sflag:s23], s21  }
0x17: {  	s4 =	ssub.s32 $0x0, s21;
	[sflag:s23] =	ssyncset.done $0x0  }
0x18: {  	[sflag:s23] =	ssyncadd.s32 s4;
	_ =	sdelay $0x1  }
0x19: {  	s24 =	simm.s32 $0x1B8B  }
0x1a: {  	_ =	swait.ge [sflag:s24], $0x1  }
0x1b: {  	[sflag:s24] =	ssyncset.done $0x0  }
0x1c: {  	s26 =	simm.s32 $0x1B8E;
	s25 =	sld [smem:$0x3FFE];
	[sflag:s24] =	ssyncadd.s32 $0xFFFFFFFF  }
0x1d: {  	s27 =	simm.s32 $execute0_lowered;
	[smem:$0x3FD2] =	sst s26  }
0x1e: {  	s5 =	sshll.u32 s27, $0x1;
	_ =	strace $0x80000046;
	[dreg:$0x1] =	wrdreg $0xFFFFFFFF  }
0x1f: {  	s28 =	simm.s32 $_size_execute0_lowered;
	s3 =	sadd.s32 s3, s5;
	[dreg:$0x0] =	wrdreg $0x0  }
0x20: {  	s5 =	sshll.u32 s28, $0x1;
	[dreg:$0x2] =	wrdreg s3  }
0x21: {  	[dreg:$0x3] =	wrdreg s5  }
0x22: {  	[dreg:$0x4] =	wrdreg $0xC0  }
0x23: {  	_ =	task [dreg:s7], $0x5FFFF  }
0x24: {  	[dreg:$0x1] =	wrdreg $0xFFFFFFFF  }
0x25: {  	[dreg:$0x0] =	wrdreg $0x60  }
0x26: {  	[dreg:$0x2] =	wrdreg s2  }
0x27: {  	[dreg:$0x3] =	wrdreg s25  }
0x28: {  	[dreg:$0x4] =	wrdreg $0x9  }
0x29: {  	_ =	task.clear_ibuf [dreg:s7], $0x5FFFF;
	_ =	strace $0x90000046  }
0x2a: {  	s29 =	simm.s32 $0x9;
	_ =	strace $0x80000048  }
0x2b: {  	_ =	swait.ge [sflag:s29], $0x1  }
0x2c: {  	[sflag:s29] =	ssyncadd.s32 $0xFFFFFFFF  }
0x2d: {  	_ =	strace $0x90000048  }
0x2e: {  	_ =	sfence  }
0x2f: {  	s30 =	sld [smem:$0x0];
	_ =	sdelay $0x2  }
0x30: {  	s31 =	sshll.u32 s1, $0xD;
	s1 =	sshrl.u32 s1, $0x2  }
0x31: {  	s3 =	sand.u32 $0x4000, s31;
	s1 =	sadd.s32 s1, s30  }
0x32: {  	s0 =	sor.u32 s3, s0;
	s1 =	sshll.u32 s1, $0x11  }
0x33: {  	s0 =	sor.u32 s1, s0  }
0x34: {  	s0 =	sadd.s32 $0x8F2B, s0  }
0x35: {  	[sflag:s0] =	ssyncadd.remote.s32 $0x1  }
0x36: {  	_ =	sfence.sel $0xFFFF  }
0x37: {  	[dreg:$0x0] =	wrdreg $0xFFFFFFFF;
	(pc) =	sbr.abs _section_cstart, $3  }
0x38: {  	[dreg:$0x1] =	wrdreg $0xFFFFFFFF  }
0x39: {  	_ =	task.clear_ibuf [dreg:s7], $0x2FFFF;
	_ =	strace $0x9FFFFFFF  }
0x3a: {  	(tm) =	ssettm $0x7FFFFFFF  }
0x3b: {  	_ =	shalt  }
tec
execute0_lowered:
.L_overlay_start_1:
0x0: {  	(tag) =	ssettag $0x1  }
0x1: {  	s2 =	rddreg [dreg:$0x0]  }
0x2: {  	s1 =	rddreg [dreg:$0x1]  }
0x3: {  	s0 =	rddreg [dreg:$0x2];
	_ =	strace $0x80000047;
	s4 =	srdreg.scid  }
.Ltmp0:
0x4: {  	s6 =	simm.s32 $0x2;
	p0 =	por $0x0, $0x0;
	(pc) =	sbr.rel .LBB1_1-.Ltmp0, $4  }
0x5: {  	s9 =	simm.s32 $0x0;
	s3 =	sadd.s32 $0xC00, s1;
	s5 =	sshll.u32 s4, $0x4  }
0x6: {  	s1 =	stileid.u32;
	s4 =	simm.s32 $0x1;
	s5 =	sand.u32 $0x10, s5  }
0x7: {  	s7 =	simm.s32 $0x0;
	[sflag:s4] =	ssyncpa.u1 $0x0;
	s5 =	sor.u32 s1, s5  }
0x8: {  	[sflag:s6] =	ssyncpa.u1 $0x0;
	s6 =	simm.s32 $0x0;
	s8 =	smov.u32 s5  }
.LBB1_7:
0x9: {  	s11 =	sadd.s32 $0x20, s8  }
0xa: {  	p1 =	slt.u32 s7, $0x2;
	s7 =	sadd.s32 $0x1, s7;
	p2 =	sgt.s32 s11, $0x1FF  }
0xb: {  	s11 =	smov.u32 @p2 s5;
	p2 =	sne.s32 s7, $0x12  }
.Ltmp1:
0xc: {  	_ = 	snop;
	(pc) =	sbr.rel @!p2 .LBB1_8-.Ltmp1, $4  }
0xd: {  	s10 =	simm.s32 @!p1 $0x2  }
0xe: {  	_ =	swait.ge @!p1 [sflag:s10], $0x4000  }
0xf: {  	s9 =	smov.u32 s8;
	[sflag:s10] =	ssyncset.done @!p1 $0x0  }
0x10: {  	p0 =	por !p0, !p0;
	s8 =	smov.u32 s11;
	[sflag:s10] =	ssyncadd.s32 @!p1 $0xFFFFC000  }
.LBB1_1:
0x11: {  	p1 =	sgt.u32 s7, $0xF  }
0x12: {  	s10 =	sxor.u32 @!p1 $0xFFFFFFFF, s7  }
0x13: {  	s11 =	sshll.u32 @!p1 s8, $0xB;
	s10 =	sshll.u32 @!p1 s10, $0xE  }
0x14: {  	s12 =	simm.s32 @!p1 $0x0;
	s11 =	sadd.s32 @!p1 s2, s11;
	s10 =	sand.u32 @!p1 $0x4000, s10  }
0x15: {  	[tilespmem:s10], [sflag:$0x1] =	stream.linear.gather @!p1 [hbm4b:s11+s12], $0x4000, $0x38;
	[tilespmem:$0x10000] =	vst v63  }
0x16: {  	p1 =	seq.s32 s7, $0x0  }
0x17: {  	p2 =	seq.s32 @!p1 s7, $0x11  }
0x18: {  	p1 =	por p1, p2  }
.Ltmp2:
0x19: {  	_ = 	snop;
	(pc) =	sbr.rel @p1 .LBB1_7-.Ltmp2, $1  }
0x1a: {  	_ =	sdelay $0x3  }
0x1b: {  	s10 =	simm.s32 $0x1;
	_ =	swait.ge [sflag:s4], $0x4000;
	s12 =	sshll.u32 s7, $0xE  }
0x1c: {  	s13 =	simm.s32 $0x0;
	s10 =	simm.s32 @!p0 $0x0;
	[sflag:s4] =	ssyncset.done $0x0  }
0x1d: {  	s12 =	sand.u32 $0x4000, s12;
	s11 =	sshll.u32 s10, $0xE;
	[sflag:s4] =	ssyncadd.s32 $0xFFFFC000  }
0x1e: {  	s12 =	sor.u32 $0x8000, s12;
	s10 =	sor.u32 $0x8040, s11;
	s11 =	sor.u32 $0x40, s11  }
.LBB1_3:
0x1f: {  	v0 =	vmov s11;
	_ =	sdelay $0x3  }
0x20: {  	s15 =	simm.s32 $0x0  }
0x21: {  	v6 =	vld.idx.msk [tilespmem:v0+s15+$0x30 ss:$0x1], $0xffff  }
0x22: {  	v7 =	vld.idx.msk [tilespmem:v0+s15+$0xFFFFFFC0 ss:$0x1], $0xffff  }
0x23: {  	v5 =	vld.idx.msk [tilespmem:v0+s15+$0xFFFFFFD0 ss:$0x1], $0xffff  }
0x24: {  	v4 =	vld.idx.msk [tilespmem:v0+s15+$0xFFFFFFE0 ss:$0x1], $0xffff  }
0x25: {  	v3 =	vld.idx.msk [tilespmem:v0+s15+$0xFFFFFFF0 ss:$0x1], $0xffff  }
0x26: {  	v1 =	vld.idx.msk [tilespmem:v0+s15+$0x0 ss:$0x1], $0xffff  }
0x27: {  	v2 =	vld.idx.msk [tilespmem:v0+s15+$0x10 ss:$0x1], $0xffff;
	[tilespmem:s10+$0x30] =	vst v6  }
0x28: {  	s14 =	simm.s32 $0x80;
	s16 =	simm.s32 $0x400;
	[tilespmem:s10+$0xFFFFFFC0] =	vst v7;
	v6 =	vld.idx.msk [tilespmem:v0+s15+$0x20 ss:$0x1], $0xffff;
	s15 =	smov.u32 s10  }
.LBB1_4:
0x29: {  	p1 =	sne.s32 s16, $0xE00;
	v7 =	vld.idx.msk [tilespmem:v0+s14+$0x30 ss:$0x1], $0xffff;
	[tilespmem:s15+$0xFFFFFFD0] =	vst v5  }
0x2a: {  	v8 =	vld.idx.msk [tilespmem:v0+s14+$0xFFFFFFC0 ss:$0x1], $0xffff;
	[tilespmem:s15+$0xFFFFFFE0] =	vst v4  }
0x2b: {  	v5 =	vld.idx.msk [tilespmem:v0+s14+$0xFFFFFFD0 ss:$0x1], $0xffff;
	[tilespmem:s15+$0xFFFFFFF0] =	vst v3  }
.Ltmp3:
0x2c: {  	v4 =	vld.idx.msk [tilespmem:v0+s14+$0xFFFFFFE0 ss:$0x1], $0xffff;
	[tilespmem:s15+$0x0] =	vst v1;
	(pc) =	sbr.rel @p1 .LBB1_4-.Ltmp3, $4  }
0x2d: {  	v3 =	vld.idx.msk [tilespmem:v0+s14+$0xFFFFFFF0 ss:$0x1], $0xffff;
	[tilespmem:s15+$0x10] =	vst v2  }
0x2e: {  	v1 =	vld.idx.msk [tilespmem:v0+s14+$0x0 ss:$0x1], $0xffff;
	[tilespmem:s15+$0x20] =	vst v6;
	s15 =	sadd.s32 $0x800, s15  }
0x2f: {  	v2 =	vld.idx.msk [tilespmem:v0+s14+$0x10 ss:$0x1], $0xffff;
	[tilespmem:s15+$0x30] =	vst v7  }
0x30: {  	[tilespmem:s15+$0xFFFFFFC0] =	vst v8;
	v6 =	vld.idx.msk [tilespmem:v0+s14+$0x20 ss:$0x1], $0xffff;
	s14 =	sshra.s32 s16, $0x2;
	s16 =	sadd.s32 $0x200, s16  }
0x31: {  	_ =	sdelay $0x2  }
0x32: {  	[tilespmem:s15+$0xFFFFFFD0] =	vst v5  }
0x33: {  	v56 =	vld.idx.msk [tilespmem:v0+s14+$0x30 ss:$0x1], $0xffff;
	[tilespmem:s15+$0xFFFFFFE0] =	vst v4  }
0x34: {  	v57 =	vld.idx.msk [tilespmem:v0+s14+$0xFFFFFFC0 ss:$0x1], $0xffff;
	[tilespmem:s15+$0xFFFFFFF0] =	vst v3  }
0x35: {  	v58 =	vld.idx.msk [tilespmem:v0+s14+$0xFFFFFFD0 ss:$0x1], $0xffff;
	[tilespmem:s15+$0x0] =	vst v1  }
0x36: {  	v59 =	vld.idx.msk [tilespmem:v0+s14+$0xFFFFFFE0 ss:$0x1], $0xffff;
	[tilespmem:s15+$0x10] =	vst v2  }
0x37: {  	v60 =	vld.idx.msk [tilespmem:v0+s14+$0xFFFFFFF0 ss:$0x1], $0xffff;
	s31 =	sadd.s32 $0x800, s15;
	[tilespmem:s15+$0x20] =	vst v6  }
0x38: {  	v61 =	vld.idx.msk [tilespmem:v0+s14+$0x0 ss:$0x1], $0xffff;
	[tilespmem:s31+$0x30] =	vst v56  }
0x39: {  	v62 =	vld.idx.msk [tilespmem:v0+s14+$0x10 ss:$0x1], $0xffff;
	s13 =	sadd.s32 $0x1, s13;
	[tilespmem:s31+$0xFFFFFFC0] =	vst v57  }
0x3a: {  	v63 =	vld.idx.msk [tilespmem:v0+s14+$0x20 ss:$0x1], $0xffff;
	p1 =	sne.s32 s13, $0x10;
	[tilespmem:s31+$0xFFFFFFD0] =	vst v58  }
.Ltmp4:
0x3b: {  	[tilespmem:s31+$0xFFFFFFE0] =	vst v59;
	(pc) =	sbr.rel @p1 .LBB1_3-.Ltmp4, $4  }
0x3c: {  	[tilespmem:s31+$0xFFFFFFF0] =	vst v60  }
0x3d: {  	[tilespmem:s31+$0x0] =	vst v61  }
0x3e: {  	[tilespmem:s31+$0x10] =	vst v62  }
0x3f: {  	s10 =	sadd.s32 $0x80, s10;
	s11 =	sadd.s32 $0x400, s11;
	[tilespmem:s31+$0x20] =	vst v63  }
.Ltmp5:
0x40: {  	(pc) =	sbr.rel .LBB1_7-.Ltmp5, $4  }
0x41: {  	_ = 	snop  }
0x42: {  	s9 =	sshll.u32 s9, $0xB  }
0x43: {  	s9 =	sadd.s32 s3, s9  }
0x44: {  	[hbm4b:s9+s6] =	stream.linear.scatter [tilespmem:s12], [sflag:$0x2], $0x4000, $0x38;
	[tilespmem:$0x10000] =	vst v63  }
.LBB1_8:
0x45: {  	_ =	sfence.sel $0x180000  }
0x46: {  	s2 =	simm.s32 $0x1;
	[bflag:$0x0] =	sbarrier.arrive $0xFFFF  }
0x47: {  	s31 =	simm.s32 $0x2;
	[sflag:s2] =	ssyncpa.u1 $0x1  }
0x48: {  	[sflag:s31] =	ssyncpa.u1 $0x1  }
0x49: {  	p0 =	sne.s32 s1, $0x0;
	_ =	strace $0x90000047  }
0x4a: {  	s0 =	sadd.s32 @!p0 $0x100000, s0;
	[bflag:$0x2] =	sbarrier.arrive $0xFFFF  }
0x4b: {  	[sflag:s0] =	ssyncadd.tile.s32 @!p0 $0x1;
	_ =	shalt  }
.Lfunc_end1:
_tile_overlayer_lowered:
.L_overlay_start_2:
0x4c: {  	(tag) =	ssettag $0x2  }
0x4d: {  	s0 =	rddreg [dreg:$0x0];
	s2 =	stileid.u32  }
0x4e: {  	s1 =	rddreg [dreg:$0x1];
	p0 =	sne.s32 s2, $0x0  }
0x4f: {  	s3 =	rddreg [dreg:$0x2];
	[bflag:$0x3] =	sbarrier.arrive $0xFFFF;
	s2 =	simm.s32 @!p0 $0x1C01  }
0x50: {  	[timem:s3], [sflag:s2] =	dma.local @!p0 [hbm:s0], s1  }
0x51: {  	s0 =	simm.s32 @!p0 $0x1  }
0x52: {  	_ =	swait.ge @!p0 [sflag:s0], s1  }
0x53: {  	s1 =	ssub.s32 @!p0 $0x0, s1;
	[sflag:s0] =	ssyncset.done @!p0 $0x0  }
0x54: {  	[sflag:s0] =	ssyncadd.s32 @!p0 s1  }
0x55: {  	[bflag:$0x3] =	sbarrier.arrive $0xFFFF  }
0x56: {  	_ =	shalt  }

</sc_bundles>
